<compile_context>
chip_gen: v7x
topology: tpu7x:2x2x1
jax: 0.10.2.dev20260603
libtpu: 0.0.44.dev20260713+nightly
codegen_flags: <defaults>
</compile_context>

<pallas_src>
import functools

import jax
import jax.numpy as jnp
from jax import lax
from jax.experimental import pallas as pl
from jax.experimental.pallas import tpu as pltpu
from jax.experimental.pallas import tpu_sc as plsc

N = 10000
E = 320000
C = 64
L = 4
NC = 2
NS = 16
NW = NC * NS
EPW = E // NW
CHUNK = 80
NCHUNK = EPW // CHUNK
NP = 10240
ROWS_PT = NP // NS
ZROWS = 128


def _pre_body(x_ref, w_ref, asv_ref, adv_ref, we_ref, ae_ref, ea_ref,
              xl_ref, asrc_ref, adst_ref, eac_ref):
    xl = jnp.dot(x_ref[...], w_ref[...], preferred_element_type=jnp.float32)
    xl_ref[...] = xl
    asrc_ref[...] = jnp.dot(xl, asv_ref[...], preferred_element_type=jnp.float32)
    adst_ref[...] = jnp.dot(xl, adv_ref[...], preferred_element_type=jnp.float32)
    c = jnp.sum(we_ref[...] * ae_ref[...])
    eac_ref[...] = ea_ref[...] * c


_pre_call = pl.pallas_call(
    _pre_body,
    out_shape=[
        jax.ShapeDtypeStruct((N, C), jnp.float32),
        jax.ShapeDtypeStruct((N, 1), jnp.float32),
        jax.ShapeDtypeStruct((N, 1), jnp.float32),
        jax.ShapeDtypeStruct((E // 128, 128), jnp.float32),
    ],
)


def _post_body(oa_ref, ob_ref, dp_ref, gp_ref, sp_ref, xl_ref, as_ref, ad_ref,
               b_ref, wo_ref, bo_ref, ones_ref, res_ref):
    cdims = (((0,), (0,)), ((), ()))
    ones = ones_ref[...]
    dn = lax.dot_general(dp_ref[...], ones, cdims, preferred_element_type=jnp.float32)
    dg = lax.dot_general(gp_ref[...], ones, cdims, preferred_element_type=jnp.float32)
    sa = lax.dot_general(sp_ref[...], ones, cdims, preferred_element_type=jnp.float32)
    loop_c = sa / jnp.maximum(dg, 1.0)
    a_self = as_ref[...] + ad_ref[...] + loop_c
    a_self = jnp.where(a_self >= 0.0, a_self, 0.2 * a_self)
    ex_self = jnp.exp(a_self)
    xl = xl_ref[...]
    outu = oa_ref[...] + ob_ref[...] + ex_self * xl
    out = outu / jnp.maximum(dn + ex_self, 1e-16) + b_ref[...]
    res = lax.dot_general(wo_ref[...], out, (((1,), (1,)), ((), ())),
                          preferred_element_type=jnp.float32)
    res_ref[...] = res + bo_ref[...]


_post_call = pl.pallas_call(
    _post_body,
    out_shape=jax.ShapeDtypeStruct((L, N), jnp.float32),
)


_sc_mesh = plsc.VectorSubcoreMesh(core_axis_name="c", subcore_axis_name="s")


@functools.partial(
    pl.kernel,
    out_type=[
        jax.ShapeDtypeStruct((NC, NP, C), jnp.float32),
        jax.ShapeDtypeStruct((NW * NP,), jnp.float32),
        jax.ShapeDtypeStruct((NW * NP,), jnp.float32),
        jax.ShapeDtypeStruct((NW * NP,), jnp.float32),
    ],
    mesh=_sc_mesh,
    compiler_params=pltpu.CompilerParams(
        needs_layout_passes=False, use_tc_tiling_on_sc=False),
    scratch_types=[
        pltpu.VMEM((N,), jnp.float32),
        pltpu.VMEM((N,), jnp.float32),
        pltpu.VMEM((N,), jnp.float32),
        pltpu.VMEM((N,), jnp.float32),
        pltpu.VMEM((N,), jnp.float32),
        pltpu.VMEM((EPW,), jnp.int32),
        pltpu.VMEM((EPW,), jnp.int32),
        [pltpu.VMEM((CHUNK,), jnp.int32)] * 2,
        [pltpu.VMEM((CHUNK,), jnp.int32)] * 2,
        [pltpu.VMEM((CHUNK,), jnp.float32)] * 2,
        [pltpu.VMEM((CHUNK, C), jnp.float32)] * 2,
        pltpu.VMEM((CHUNK,), jnp.float32),
        pltpu.VMEM_SHARED((NP, C), jnp.float32),
        [pltpu.SemaphoreType.DMA] * 2,
        [pltpu.SemaphoreType.DMA] * 2,
        [pltpu.SemaphoreType.DMA] * 2,
    ],
)
def _sc_edge(src_hbm, dst_hbm, eac_hbm, asrc_hbm, adst_hbm, xl_hbm,
             outu_hbm, denom_hbm, deg_hbm, sattr_hbm,
             asrc_v, adst_v, denom_v, deg_v, sattr_v,
             src_all, dst_all, srcb, dstb, eacb, rowsb, exb,
             outu_sh, semg, seme, sems):
    cid = lax.axis_index("c")
    sid = lax.axis_index("s")
    wid = sid * NC + cid
    ebase = wid * EPW

    pltpu.sync_copy(asrc_hbm, asrc_v)
    pltpu.sync_copy(adst_hbm, adst_v)
    pltpu.sync_copy(src_hbm.at[pl.ds(ebase, EPW)], src_all)
    pltpu.sync_copy(dst_hbm.at[pl.ds(ebase, EPW)], dst_all)

    zeros16 = jnp.zeros((16,), jnp.float32)
    ones16 = jnp.full((16,), 1.0, jnp.float32)

    def zero_locals(i, carry):
        denom_v[pl.ds(i * 16, 16)] = zeros16
        deg_v[pl.ds(i * 16, 16)] = zeros16
        sattr_v[pl.ds(i * 16, 16)] = zeros16
        return carry

    lax.fori_loop(0, N // 16, zero_locals, 0)

    def zero_rows(r, carry):
        for q in range(C // 16):
            rowsb[0][r, pl.ds(q * 16, 16)] = zeros16
        return carry

    lax.fori_loop(0, CHUNK, zero_rows, 0)

    def zero_shared(j, carry):
        pltpu.sync_copy(rowsb[0],
                        outu_sh.at[pl.ds(sid * ROWS_PT + j * CHUNK, CHUNK), :])
        return carry

    lax.fori_loop(0, ROWS_PT // CHUNK, zero_shared, 0)
    plsc.subcore_barrier()

    def start_gather(k, b):
        base = k * CHUNK
        pltpu.async_copy(eac_hbm.at[pl.ds(ebase + base, CHUNK)], eacb[b], seme[b])
        for g in range(CHUNK // 16):
            srcb[b][pl.ds(g * 16, 16)] = src_all[pl.ds(base + g * 16, 16)]
            dstb[b][pl.ds(g * 16, 16)] = dst_all[pl.ds(base + g * 16, 16)]
        pltpu.async_copy(xl_hbm.at[srcb[b]], rowsb[b], semg[b])

    def wait_eac(k, b):
        pltpu.make_async_copy(
            eac_hbm.at[pl.ds(ebase + k * CHUNK, CHUNK)], eacb[b], seme[b]).wait()

    def wait_rows(b):
        pltpu.make_async_copy(xl_hbm.at[srcb[b]], rowsb[b], semg[b]).wait()

    def alpha_part(b):
        for g in range(CHUNK // 16):
            s16 = srcb[b][pl.ds(g * 16, 16)]
            d16 = dstb[b][pl.ds(g * 16, 16)]
            e16 = eacb[b][pl.ds(g * 16, 16)]
            av = plsc.load_gather(asrc_v, [s16])
            bv = plsc.load_gather(adst_v, [d16])
            al = av + bv + e16
            al = jnp.where(al >= 0.0, al, 0.2 * al)
            ex = jnp.exp(al)
            exb[pl.ds(g * 16, 16)] = ex
            plsc.addupdate_scatter(denom_v, [d16], ex)
            plsc.addupdate_scatter(deg_v, [d16], ones16)
            plsc.addupdate_scatter(sattr_v, [d16], e16)

    def scale_part(b):
        def scale_row(r, carry2):
            exs = plsc.load_gather(exb, [lax.broadcast(r, (16,))])
            for q in range(C // 16):
                rowsb[b][r, pl.ds(q * 16, 16)] = rowsb[b][r, pl.ds(q * 16, 16)] * exs
            return carry2

        lax.fori_loop(0, CHUNK, scale_row, 0)

    def start_scatter(b):
        pltpu.async_copy(rowsb[b], outu_sh.at[dstb[b]], sems[b], add=True)

    def wait_scatter(b):
        pltpu.make_async_copy(rowsb[b], outu_sh.at[dstb[b]], sems[b]).wait()

    start_gather(0, 0)
    start_gather(1, 1)
    wait_eac(0, 0)
    wait_rows(0)
    start_scatter(0)

    def body(k, b):
        nb = 1 - b
        wait_scatter(nb)
        start_gather(k + 1, nb)
        wait_eac(k, b)
        wait_rows(b)
        start_scatter(b)

    def pair_body(j, carry):
        body(2 * j + 1, 1)
        body(2 * j + 2, 0)
        return carry

    lax.fori_loop(0, (NCHUNK - 3) // 2, pair_body, 0)
    body(NCHUNK - 2, 1)
    wait_eac(NCHUNK - 1, 0)
    wait_rows(0)
    pltpu.sync_copy(rowsb[0], outu_sh.at[dstb[0]], add=True)
    wait_scatter(1)

    plsc.subcore_barrier()
    pltpu.sync_copy(denom_v, denom_hbm.at[pl.ds(wid * NP, N)])
    pltpu.sync_copy(deg_v, deg_hbm.at[pl.ds(wid * NP, N)])
    pltpu.sync_copy(sattr_v, sattr_hbm.at[pl.ds(wid * NP, N)])
    pltpu.sync_copy(outu_sh.at[pl.ds(sid * ROWS_PT, ROWS_PT), :],
                    outu_hbm.at[cid, pl.ds(sid * ROWS_PT, ROWS_PT), :])


def kernel(x, edge_index, edge_attr, W, b, att_src, att_dst, W_edge, att_edge,
           W_out, b_out):
    src = edge_index[0].astype(jnp.int32)
    dst = edge_index[1].astype(jnp.int32)
    ea2 = edge_attr.reshape(E // 128, 128)
    xl, asrc2, adst2, eac2 = _pre_call(
        x, W, att_src[:, None], att_dst[:, None], W_edge, att_edge[None, :], ea2)
    eac = eac2.reshape(E)
    asrc = asrc2.reshape(N)
    adst = adst2.reshape(N)
    outu_p, denom_p, deg_p, sattr_p = _sc_edge(src, dst, eac, asrc, adst, xl)
    denom_p = denom_p.reshape(NW, NP)[:, :N]
    deg_p = deg_p.reshape(NW, NP)[:, :N]
    sattr_p = sattr_p.reshape(NW, NP)[:, :N]
    res = _post_call(outu_p[0, :N], outu_p[1, :N], denom_p, deg_p, sattr_p, xl,
                     asrc2, adst2, b[None, :], W_out, b_out[:, None],
                     jnp.ones((NW, 1), jnp.float32))
    return res[:, :, None]

# --- scband reference (transcript-rebuilt; emitter-appended) ---
"""Pipeline reference for scband-net-24481313587656 (READ-ONLY COPY).

The authoritative reference and input builder live on the scoring server;
editing this copy changes nothing except your own understanding.
"""

import jax, jax.numpy as jnp
import numpy as np

N = 10000
E = 320000
F_IN = 128
C_OUT = 64
L = 4


def setup_inputs(seed: int = 0) -> dict:
    key = jax.random.key(seed)
    ks = jax.random.split(key, 11)
    x = jax.random.normal(ks[0], (N, F_IN), dtype=jnp.float32)
    edge_index = jax.random.randint(ks[1], (2, E), 0, N)
    edge_attr = jax.random.normal(ks[2], (E, 1), dtype=jnp.float32)
    W = jax.random.normal(ks[3], (F_IN, C_OUT), dtype=jnp.float32) / np.sqrt(F_IN)
    b = jnp.zeros((C_OUT,), dtype=jnp.float32)
    att_src = jax.random.normal(ks[4], (C_OUT,), dtype=jnp.float32) / np.sqrt(C_OUT)
    att_dst = jax.random.normal(ks[5], (C_OUT,), dtype=jnp.float32) / np.sqrt(C_OUT)
    W_edge = jax.random.normal(ks[6], (1, C_OUT), dtype=jnp.float32)
    att_edge = jax.random.normal(ks[7], (C_OUT,), dtype=jnp.float32) / np.sqrt(C_OUT)
    W_out = jax.random.normal(ks[8], (L, C_OUT), dtype=jnp.float32) / np.sqrt(C_OUT)
    b_out = jnp.zeros((L,), dtype=jnp.float32)
    return {"x": x, "edge_index": edge_index, "edge_attr": edge_attr, "W": W, "b": b,
            "att_src": att_src, "att_dst": att_dst, "W_edge": W_edge, "att_edge": att_edge,
            "W_out": W_out, "b_out": b_out}


def reference(x, edge_index, edge_attr, W, b, att_src, att_dst, W_edge, att_edge, W_out, b_out):
    n = x.shape[0]
    src, dst = edge_index[0], edge_index[1]
    # add self loops; self-loop edge_attr = per-dst mean of incoming edge_attr (PyG fill_value='mean')
    deg = jnp.zeros((n,), dtype=x.dtype).at[dst].add(1.0)
    loop_attr = jnp.zeros((n, edge_attr.shape[1]), dtype=x.dtype).at[dst].add(edge_attr)
    loop_attr = loop_attr / jnp.maximum(deg, 1.0)[:, None]
    ar = jnp.arange(n, dtype=src.dtype)
    src_f = jnp.concatenate([src, ar])
    dst_f = jnp.concatenate([dst, ar])
    ea = jnp.concatenate([edge_attr, loop_attr], axis=0)
    # GATConv (heads=1, concat=True)
    xl = x @ W                                # [N, C]
    a_src = xl @ att_src                      # [N]
    a_dst = xl @ att_dst                      # [N]
    e_feat = ea @ W_edge                      # [E+N, C]
    a_edge = e_feat @ att_edge                # [E+N]
    alpha = a_src[src_f] + a_dst[dst_f] + a_edge
    alpha = jax.nn.leaky_relu(alpha, negative_slope=0.2)
    # segment softmax over destination nodes
    amax = jax.ops.segment_max(alpha, dst_f, num_segments=n)
    amax = jnp.where(jnp.isfinite(amax), amax, 0.0)
    ex = jnp.exp(alpha - amax[dst_f])
    denom = jax.ops.segment_sum(ex, dst_f, num_segments=n)
    att = ex / jnp.maximum(denom[dst_f], 1e-16)
    out = jax.ops.segment_sum(att[:, None] * xl[src_f], dst_f, num_segments=n) + b  # [N, C]
    # per-label linear heads -> res[L, N, 1]
    res = jnp.einsum('nc,lc->ln', out, W_out) + b_out[:, None]
    return res[:, :, None]

if __name__ == "__main__":
    import jax
    _d = setup_inputs()
    print(jax.jit(kernel)(*tuple(_d.values())))

</pallas_src>

<mosaic_0001>
#map = affine_map<(d0, d1) -> (0)>
#map1 = affine_map<(d0, d1) -> (0, 0)>
#map2 = affine_map<(d0, d1) -> (0, 0, 0)>
module attributes {stable_mosaic.version = 14 : i64} {
  func.func @_sc_edge(%arg0: i32, %arg1: i32, %arg2: memref<320000xi32, #tpu.memory_space<hbm>>, %arg3: memref<320000xi32, #tpu.memory_space<hbm>>, %arg4: memref<320000xf32, #tpu.memory_space<hbm>>, %arg5: memref<10000xf32, #tpu.memory_space<hbm>>, %arg6: memref<10000xf32, #tpu.memory_space<hbm>>, %arg7: memref<10000x64xf32, #tpu.memory_space<hbm>>, %arg8: memref<2x10240x64xf32, #tpu.memory_space<hbm>>, %arg9: memref<327680xf32, #tpu.memory_space<hbm>>, %arg10: memref<327680xf32, #tpu.memory_space<hbm>>, %arg11: memref<327680xf32, #tpu.memory_space<hbm>>, %arg12: memref<10000xf32, #tpu.memory_space<vmem>>, %arg13: memref<10000xf32, #tpu.memory_space<vmem>>, %arg14: memref<10000xf32, #tpu.memory_space<vmem>>, %arg15: memref<10000xf32, #tpu.memory_space<vmem>>, %arg16: memref<10000xf32, #tpu.memory_space<vmem>>, %arg17: memref<10000xi32, #tpu.memory_space<vmem>>, %arg18: memref<10000xi32, #tpu.memory_space<vmem>>, %arg19: memref<80xi32, #tpu.memory_space<vmem>>, %arg20: memref<80xi32, #tpu.memory_space<vmem>>, %arg21: memref<80xi32, #tpu.memory_space<vmem>>, %arg22: memref<80xi32, #tpu.memory_space<vmem>>, %arg23: memref<80xf32, #tpu.memory_space<vmem>>, %arg24: memref<80xf32, #tpu.memory_space<vmem>>, %arg25: memref<80x64xf32, #tpu.memory_space<vmem>>, %arg26: memref<80x64xf32, #tpu.memory_space<vmem>>, %arg27: memref<80xf32, #tpu.memory_space<vmem>>, %arg28: memref<10240x64xf32, #tpu.memory_space<vmem_shared>>, %arg29: memref<!tpu.dma_semaphore, #tpu.memory_space<semaphore_mem>>, %arg30: memref<!tpu.dma_semaphore, #tpu.memory_space<semaphore_mem>>, %arg31: memref<!tpu.dma_semaphore, #tpu.memory_space<semaphore_mem>>, %arg32: memref<!tpu.dma_semaphore, #tpu.memory_space<semaphore_mem>>, %arg33: memref<!tpu.dma_semaphore, #tpu.memory_space<semaphore_mem>>, %arg34: memref<!tpu.dma_semaphore, #tpu.memory_space<semaphore_mem>>) attributes {dimension_semantics = [#tpu.dimension_semantics<core_parallel>, #tpu.dimension_semantics<subcore_parallel>], iteration_bounds = array<i64: 2, 16>, scalar_prefetch = 0 : i64, scratch_operands = 23 : i64, tpu.core_type = #tpu.core_type<sc_vector_subcore>, window_params = [{transform_indices = #map}, {transform_indices = #map}, {transform_indices = #map}, {transform_indices = #map}, {transform_indices = #map}, {transform_indices = #map1}, {transform_indices = #map2}, {transform_indices = #map}, {transform_indices = #map}, {transform_indices = #map}]} {
    %mul3A = arith.constant 2 : i32
    %mul3A_0 = arith.muli %arg1, %mul3A : i32
    %add3A = arith.addi %mul3A_0, %arg0 : i32
    %mul3A_1 = arith.constant 10000 : i32
    %mul3A_2 = arith.muli %add3A, %mul3A_1 : i32
    "tpu.region"() ({
      %run_scoped3A = tpu.sem_alloc : memref<!tpu.dma_semaphore, #tpu.memory_space<semaphore_mem>>
      tpu.enqueue_dma source(%arg5 : memref<10000xf32, #tpu.memory_space<hbm>>) target(%arg12 : memref<10000xf32, #tpu.memory_space<vmem>>) target_semaphore(%run_scoped3A : memref<!tpu.dma_semaphore, #tpu.memory_space<semaphore_mem>>)
      tpu.wait_dma2 semaphore(%run_scoped3A : memref<!tpu.dma_semaphore, #tpu.memory_space<semaphore_mem>>) src(%arg5 : memref<10000xf32, #tpu.memory_space<hbm>>) dst(%arg12 : memref<10000xf32, #tpu.memory_space<vmem>>)
      tpu.yield
    }) : () -> ()
    "tpu.region"() ({
      %run_scoped3A = tpu.sem_alloc : memref<!tpu.dma_semaphore, #tpu.memory_space<semaphore_mem>>
      tpu.enqueue_dma source(%arg6 : memref<10000xf32, #tpu.memory_space<hbm>>) target(%arg13 : memref<10000xf32, #tpu.memory_space<vmem>>) target_semaphore(%run_scoped3A : memref<!tpu.dma_semaphore, #tpu.memory_space<semaphore_mem>>)
      tpu.wait_dma2 semaphore(%run_scoped3A : memref<!tpu.dma_semaphore, #tpu.memory_space<semaphore_mem>>) src(%arg6 : memref<10000xf32, #tpu.memory_space<hbm>>) dst(%arg13 : memref<10000xf32, #tpu.memory_space<vmem>>)
      tpu.yield
    }) : () -> ()
    "tpu.region"() ({
      %run_scoped3A = tpu.sem_alloc : memref<!tpu.dma_semaphore, #tpu.memory_space<semaphore_mem>>
      %dma_start3A_210 = tpu.memref_slice %arg2[%mul3A_2] : memref<320000xi32, #tpu.memory_space<hbm>> -> memref<10000xi32, #tpu.memory_space<hbm>>
      %dma_start3A_211 = tpu.memref_slice %arg2[%mul3A_2] : memref<320000xi32, #tpu.memory_space<hbm>> -> memref<10000xi32, #tpu.memory_space<hbm>>
      tpu.enqueue_dma source(%dma_start3A_211 : memref<10000xi32, #tpu.memory_space<hbm>>) target(%arg17 : memref<10000xi32, #tpu.memory_space<vmem>>) target_semaphore(%run_scoped3A : memref<!tpu.dma_semaphore, #tpu.memory_space<semaphore_mem>>)
      %dma_wait3A_212 = tpu.memref_slice %arg2[%mul3A_2] : memref<320000xi32, #tpu.memory_space<hbm>> -> memref<10000xi32, #tpu.memory_space<hbm>>
      %dma_wait3A_213 = tpu.memref_slice %arg2[%mul3A_2] : memref<320000xi32, #tpu.memory_space<hbm>> -> memref<10000xi32, #tpu.memory_space<hbm>>
      tpu.wait_dma2 semaphore(%run_scoped3A : memref<!tpu.dma_semaphore, #tpu.memory_space<semaphore_mem>>) src(%dma_wait3A_213 : memref<10000xi32, #tpu.memory_space<hbm>>) dst(%arg17 : memref<10000xi32, #tpu.memory_space<vmem>>)
      tpu.yield
    }) : () -> ()
    "tpu.region"() ({
      %run_scoped3A = tpu.sem_alloc : memref<!tpu.dma_semaphore, #tpu.memory_space<semaphore_mem>>
      %dma_start3A_210 = tpu.memref_slice %arg3[%mul3A_2] : memref<320000xi32, #tpu.memory_space<hbm>> -> memref<10000xi32, #tpu.memory_space<hbm>>
      %dma_start3A_211 = tpu.memref_slice %arg3[%mul3A_2] : memref<320000xi32, #tpu.memory_space<hbm>> -> memref<10000xi32, #tpu.memory_space<hbm>>
      tpu.enqueue_dma source(%dma_start3A_211 : memref<10000xi32, #tpu.memory_space<hbm>>) target(%arg18 : memref<10000xi32, #tpu.memory_space<vmem>>) target_semaphore(%run_scoped3A : memref<!tpu.dma_semaphore, #tpu.memory_space<semaphore_mem>>)
      %dma_wait3A_212 = tpu.memref_slice %arg3[%mul3A_2] : memref<320000xi32, #tpu.memory_space<hbm>> -> memref<10000xi32, #tpu.memory_space<hbm>>
      %dma_wait3A_213 = tpu.memref_slice %arg3[%mul3A_2] : memref<320000xi32, #tpu.memory_space<hbm>> -> memref<10000xi32, #tpu.memory_space<hbm>>
      tpu.wait_dma2 semaphore(%run_scoped3A : memref<!tpu.dma_semaphore, #tpu.memory_space<semaphore_mem>>) src(%dma_wait3A_213 : memref<10000xi32, #tpu.memory_space<hbm>>) dst(%arg18 : memref<10000xi32, #tpu.memory_space<vmem>>)
      tpu.yield
    }) : () -> ()
    %broadcast_in_dim3A = arith.constant 0.000000e+00 : f32
    %broadcast_in_dim3A_3 = vector.broadcast %broadcast_in_dim3A : f32 to vector<16xf32>
    %broadcast_in_dim3A_4 = arith.constant 1.000000e+00 : f32
    %broadcast_in_dim3A_5 = vector.broadcast %broadcast_in_dim3A_4 : f32 to vector<16xf32>
    %scan3A = arith.constant 0 : i32
    %scan3A_6 = arith.constant 0 : i32
    %scan3A_7 = arith.constant 625 : i32
    %scan3A_8 = arith.addi %scan3A_6, %scan3A_7 : i32
    %scan3A_9 = arith.constant 1 : i32
    scf.for %scan3A_210 = %scan3A_6 to %scan3A_8 step %scan3A_9  : i32 {
      %mul3A_211 = arith.constant 16 : i32
      %mul3A_212 = arith.muli %scan3A_210, %mul3A_211 : i32
      %swap3A_213 = arith.index_cast %mul3A_212 : i32 to index
      %swap3A_214 = tpu.vector_load %arg14[%swap3A_213] {strides = array<i32>} : memref<10000xf32, #tpu.memory_space<vmem>>, vector<16xf32>,
      tpu.vector_store %arg14[%swap3A_213], %broadcast_in_dim3A_3 {strides = array<i32>} : memref<10000xf32, #tpu.memory_space<vmem>>, vector<16xf32>,
      %mul3A_215 = arith.constant 16 : i32
      %mul3A_216 = arith.muli %scan3A_210, %mul3A_215 : i32
      %swap3A_217 = arith.index_cast %mul3A_216 : i32 to index
      %swap3A_218 = tpu.vector_load %arg15[%swap3A_217] {strides = array<i32>} : memref<10000xf32, #tpu.memory_space<vmem>>, vector<16xf32>,
      tpu.vector_store %arg15[%swap3A_217], %broadcast_in_dim3A_3 {strides = array<i32>} : memref<10000xf32, #tpu.memory_space<vmem>>, vector<16xf32>,
      %mul3A_219 = arith.constant 16 : i32
      %mul3A_220 = arith.muli %scan3A_210, %mul3A_219 : i32
      %swap3A_221 = arith.index_cast %mul3A_220 : i32 to index
      %swap3A_222 = tpu.vector_load %arg16[%swap3A_221] {strides = array<i32>} : memref<10000xf32, #tpu.memory_space<vmem>>, vector<16xf32>,
      tpu.vector_store %arg16[%swap3A_221], %broadcast_in_dim3A_3 {strides = array<i32>} : memref<10000xf32, #tpu.memory_space<vmem>>, vector<16xf32>,
    }
    %scan3A_10 = arith.constant 625 : i32
    %scan3A_11 = arith.constant 0 : i32
    %scan3A_12 = arith.constant 0 : i32
    %scan3A_13 = arith.constant 80 : i32
    %scan3A_14 = arith.addi %scan3A_12, %scan3A_13 : i32
    %scan3A_15 = arith.constant 1 : i32
    scf.for %scan3A_210 = %scan3A_12 to %scan3A_14 step %scan3A_15  : i32 {
      %swap3A_211 = arith.index_cast %scan3A_210 : i32 to index
      %swap3A_212 = arith.constant 0 : index
      %swap3A_213 = tpu.vector_load %arg25[%swap3A_211, %swap3A_212] {strides = array<i32>} : memref<80x64xf32, #tpu.memory_space<vmem>>, vector<16xf32>,
      tpu.vector_store %arg25[%swap3A_211, %swap3A_212], %broadcast_in_dim3A_3 {strides = array<i32>} : memref<80x64xf32, #tpu.memory_space<vmem>>, vector<16xf32>,
      %swap3A_214 = arith.index_cast %scan3A_210 : i32 to index
      %swap3A_215 = arith.constant 16 : index
      %swap3A_216 = tpu.vector_load %arg25[%swap3A_214, %swap3A_215] {strides = array<i32>} : memref<80x64xf32, #tpu.memory_space<vmem>>, vector<16xf32>,
      tpu.vector_store %arg25[%swap3A_214, %swap3A_215], %broadcast_in_dim3A_3 {strides = array<i32>} : memref<80x64xf32, #tpu.memory_space<vmem>>, vector<16xf32>,
      %swap3A_217 = arith.index_cast %scan3A_210 : i32 to index
      %swap3A_218 = arith.constant 32 : index
      %swap3A_219 = tpu.vector_load %arg25[%swap3A_217, %swap3A_218] {strides = array<i32>} : memref<80x64xf32, #tpu.memory_space<vmem>>, vector<16xf32>,
      tpu.vector_store %arg25[%swap3A_217, %swap3A_218], %broadcast_in_dim3A_3 {strides = array<i32>} : memref<80x64xf32, #tpu.memory_space<vmem>>, vector<16xf32>,
      %swap3A_220 = arith.index_cast %scan3A_210 : i32 to index
      %swap3A_221 = arith.constant 48 : index
      %swap3A_222 = tpu.vector_load %arg25[%swap3A_220, %swap3A_221] {strides = array<i32>} : memref<80x64xf32, #tpu.memory_space<vmem>>, vector<16xf32>,
      tpu.vector_store %arg25[%swap3A_220, %swap3A_221], %broadcast_in_dim3A_3 {strides = array<i32>} : memref<80x64xf32, #tpu.memory_space<vmem>>, vector<16xf32>,
    }
    %scan3A_16 = arith.constant 80 : i32
    %scan3A_17 = arith.constant 0 : i32
    %scan3A_18 = arith.constant 0 : i32
    %scan3A_19 = arith.constant 8 : i32
    %scan3A_20 = arith.addi %scan3A_18, %scan3A_19 : i32
    %scan3A_21 = arith.constant 1 : i32
    scf.for %scan3A_210 = %scan3A_18 to %scan3A_20 step %scan3A_21  : i32 {
      %mul3A_211 = arith.constant 640 : i32
      %mul3A_212 = arith.muli %arg1, %mul3A_211 : i32
      %mul3A_213 = arith.constant 80 : i32
      %mul3A_214 = arith.muli %scan3A_210, %mul3A_213 : i32
      %add3A_215 = arith.addi %mul3A_212, %mul3A_214 : i32
      "tpu.region"() ({
        %run_scoped3A = tpu.sem_alloc : memref<!tpu.dma_semaphore, #tpu.memory_space<semaphore_mem>>
        %dma_start3A_216 = arith.constant 0 : i32
        %dma_start3A_217 = tpu.memref_slice %arg28[%add3A_215, %dma_start3A_216] : memref<10240x64xf32, #tpu.memory_space<vmem_shared>> -> memref<80x64xf32, #tpu.memory_space<vmem_shared>>
        %dma_start3A_218 = arith.constant 0 : i32
        %dma_start3A_219 = tpu.memref_slice %arg28[%add3A_215, %dma_start3A_218] : memref<10240x64xf32, #tpu.memory_space<vmem_shared>> -> memref<80x64xf32, #tpu.memory_space<vmem_shared>>
        tpu.enqueue_dma source(%arg25 : memref<80x64xf32, #tpu.memory_space<vmem>>) target(%dma_start3A_219 : memref<80x64xf32, #tpu.memory_space<vmem_shared>>) target_semaphore(%run_scoped3A : memref<!tpu.dma_semaphore, #tpu.memory_space<semaphore_mem>>)
        %dma_wait3A_220 = arith.constant 0 : i32
        %dma_wait3A_221 = tpu.memref_slice %arg28[%add3A_215, %dma_wait3A_220] : memref<10240x64xf32, #tpu.memory_space<vmem_shared>> -> memref<80x64xf32, #tpu.memory_space<vmem_shared>>
        %dma_wait3A_222 = arith.constant 0 : i32
        %dma_wait3A_223 = tpu.memref_slice %arg28[%add3A_215, %dma_wait3A_222] : memref<10240x64xf32, #tpu.memory_space<vmem_shared>> -> memref<80x64xf32, #tpu.memory_space<vmem_shared>>
        tpu.wait_dma2 semaphore(%run_scoped3A : memref<!tpu.dma_semaphore, #tpu.memory_space<semaphore_mem>>) src(%arg25 : memref<80x64xf32, #tpu.memory_space<vmem>>) dst(%dma_wait3A_223 : memref<80x64xf32, #tpu.memory_space<vmem_shared>>)
        tpu.yield
      }) : () -> ()
    }
    %scan3A_22 = arith.constant 8 : i32
    %barrier3A = arith.constant 0 : index
    tpu.barrier barrier_id(%barrier3A)
    %add3A_23 = arith.constant 0 : i32
    %add3A_24 = arith.addi %mul3A_2, %add3A_23 : i32
    %dma_start3A = tpu.memref_slice %arg4[%add3A_24] : memref<320000xf32, #tpu.memory_space<hbm>> -> memref<80xf32, #tpu.memory_space<hbm>>
    %dma_start3A_25 = tpu.memref_slice %arg4[%add3A_24] : memref<320000xf32, #tpu.memory_space<hbm>> -> memref<80xf32, #tpu.memory_space<hbm>>
    tpu.enqueue_dma source(%dma_start3A_25 : memref<80xf32, #tpu.memory_space<hbm>>) target(%arg23 : memref<80xf32, #tpu.memory_space<vmem>>) target_semaphore(%arg31 : memref<!tpu.dma_semaphore, #tpu.memory_space<semaphore_mem>>)
    %get3A = arith.constant 0 : index
    %get3A_26 = tpu.vector_load %arg17[%get3A] {strides = array<i32>} : memref<10000xi32, #tpu.memory_space<vmem>>, vector<16xi32>,
    %swap3A = arith.constant 0 : index
    %swap3A_27 = tpu.vector_load %arg19[%swap3A] {strides = array<i32>} : memref<80xi32, #tpu.memory_space<vmem>>, vector<16xi32>,
    tpu.vector_store %arg19[%swap3A], %get3A_26 {strides = array<i32>} : memref<80xi32, #tpu.memory_space<vmem>>, vector<16xi32>,
    %get3A_28 = arith.constant 0 : index
    %get3A_29 = tpu.vector_load %arg18[%get3A_28] {strides = array<i32>} : memref<10000xi32, #tpu.memory_space<vmem>>, vector<16xi32>,
    %swap3A_30 = arith.constant 0 : index
    %swap3A_31 = tpu.vector_load %arg21[%swap3A_30] {strides = array<i32>} : memref<80xi32, #tpu.memory_space<vmem>>, vector<16xi32>,
    tpu.vector_store %arg21[%swap3A_30], %get3A_29 {strides = array<i32>} : memref<80xi32, #tpu.memory_space<vmem>>, vector<16xi32>,
    %get3A_32 = arith.constant 16 : index
    %get3A_33 = tpu.vector_load %arg17[%get3A_32] {strides = array<i32>} : memref<10000xi32, #tpu.memory_space<vmem>>, vector<16xi32>,
    %swap3A_34 = arith.constant 16 : index
    %swap3A_35 = tpu.vector_load %arg19[%swap3A_34] {strides = array<i32>} : memref<80xi32, #tpu.memory_space<vmem>>, vector<16xi32>,
    tpu.vector_store %arg19[%swap3A_34], %get3A_33 {strides = array<i32>} : memref<80xi32, #tpu.memory_space<vmem>>, vector<16xi32>,
    %get3A_36 = arith.constant 16 : index
    %get3A_37 = tpu.vector_load %arg18[%get3A_36] {strides = array<i32>} : memref<10000xi32, #tpu.memory_space<vmem>>, vector<16xi32>,
    %swap3A_38 = arith.constant 16 : index
    %swap3A_39 = tpu.vector_load %arg21[%swap3A_38] {strides = array<i32>} : memref<80xi32, #tpu.memory_space<vmem>>, vector<16xi32>,
    tpu.vector_store %arg21[%swap3A_38], %get3A_37 {strides = array<i32>} : memref<80xi32, #tpu.memory_space<vmem>>, vector<16xi32>,
    %get3A_40 = arith.constant 32 : index
    %get3A_41 = tpu.vector_load %arg17[%get3A_40] {strides = array<i32>} : memref<10000xi32, #tpu.memory_space<vmem>>, vector<16xi32>,
    %swap3A_42 = arith.constant 32 : index
    %swap3A_43 = tpu.vector_load %arg19[%swap3A_42] {strides = array<i32>} : memref<80xi32, #tpu.memory_space<vmem>>, vector<16xi32>,
    tpu.vector_store %arg19[%swap3A_42], %get3A_41 {strides = array<i32>} : memref<80xi32, #tpu.memory_space<vmem>>, vector<16xi32>,
    %get3A_44 = arith.constant 32 : index
    %get3A_45 = tpu.vector_load %arg18[%get3A_44] {strides = array<i32>} : memref<10000xi32, #tpu.memory_space<vmem>>, vector<16xi32>,
    %swap3A_46 = arith.constant 32 : index
    %swap3A_47 = tpu.vector_load %arg21[%swap3A_46] {strides = array<i32>} : memref<80xi32, #tpu.memory_space<vmem>>, vector<16xi32>,
    tpu.vector_store %arg21[%swap3A_46], %get3A_45 {strides = array<i32>} : memref<80xi32, #tpu.memory_space<vmem>>, vector<16xi32>,
    %get3A_48 = arith.constant 48 : index
    %get3A_49 = tpu.vector_load %arg17[%get3A_48] {strides = array<i32>} : memref<10000xi32, #tpu.memory_space<vmem>>, vector<16xi32>,
    %swap3A_50 = arith.constant 48 : index
    %swap3A_51 = tpu.vector_load %arg19[%swap3A_50] {strides = array<i32>} : memref<80xi32, #tpu.memory_space<vmem>>, vector<16xi32>,
    tpu.vector_store %arg19[%swap3A_50], %get3A_49 {strides = array<i32>} : memref<80xi32, #tpu.memory_space<vmem>>, vector<16xi32>,
    %get3A_52 = arith.constant 48 : index
    %get3A_53 = tpu.vector_load %arg18[%get3A_52] {strides = array<i32>} : memref<10000xi32, #tpu.memory_space<vmem>>, vector<16xi32>,
    %swap3A_54 = arith.constant 48 : index
    %swap3A_55 = tpu.vector_load %arg21[%swap3A_54] {strides = array<i32>} : memref<80xi32, #tpu.memory_space<vmem>>, vector<16xi32>,
    tpu.vector_store %arg21[%swap3A_54], %get3A_53 {strides = array<i32>} : memref<80xi32, #tpu.memory_space<vmem>>, vector<16xi32>,
    %get3A_56 = arith.constant 64 : index
    %get3A_57 = tpu.vector_load %arg17[%get3A_56] {strides = array<i32>} : memref<10000xi32, #tpu.memory_space<vmem>>, vector<16xi32>,
    %swap3A_58 = arith.constant 64 : index
    %swap3A_59 = tpu.vector_load %arg19[%swap3A_58] {strides = array<i32>} : memref<80xi32, #tpu.memory_space<vmem>>, vector<16xi32>,
    tpu.vector_store %arg19[%swap3A_58], %get3A_57 {strides = array<i32>} : memref<80xi32, #tpu.memory_space<vmem>>, vector<16xi32>,
    %get3A_60 = arith.constant 64 : index
    %get3A_61 = tpu.vector_load %arg18[%get3A_60] {strides = array<i32>} : memref<10000xi32, #tpu.memory_space<vmem>>, vector<16xi32>,
    %swap3A_62 = arith.constant 64 : index
    %swap3A_63 = tpu.vector_load %arg21[%swap3A_62] {strides = array<i32>} : memref<80xi32, #tpu.memory_space<vmem>>, vector<16xi32>,
    tpu.vector_store %arg21[%swap3A_62], %get3A_61 {strides = array<i32>} : memref<80xi32, #tpu.memory_space<vmem>>, vector<16xi32>,
    %dma_start3A_64 = arith.constant 0 : i32
    %dma_start3A_65 = arith.constant 0 : i32
    %dma_start3A_66 = tpu.memref_slice %arg7[%dma_start3A_64, %dma_start3A_65] : memref<10000x64xf32, #tpu.memory_space<hbm>> -> memref<10000x64xf32, #tpu.memory_space<hbm>>
    tpu.enqueue_indirect_dma source(%dma_start3A_66 : memref<10000x64xf32, #tpu.memory_space<hbm>>) target(%arg25 : memref<80x64xf32, #tpu.memory_space<vmem>>) offsets(%arg19 : memref<80xi32, #tpu.memory_space<vmem>>) semaphore(%arg29 : memref<!tpu.dma_semaphore, #tpu.memory_space<semaphore_mem>>)
    %add3A_67 = arith.constant 80 : i32
    %add3A_68 = arith.addi %mul3A_2, %add3A_67 : i32
    %dma_start3A_69 = tpu.memref_slice %arg4[%add3A_68] : memref<320000xf32, #tpu.memory_space<hbm>> -> memref<80xf32, #tpu.memory_space<hbm>>
    %dma_start3A_70 = tpu.memref_slice %arg4[%add3A_68] : memref<320000xf32, #tpu.memory_space<hbm>> -> memref<80xf32, #tpu.memory_space<hbm>>
    tpu.enqueue_dma source(%dma_start3A_70 : memref<80xf32, #tpu.memory_space<hbm>>) target(%arg24 : memref<80xf32, #tpu.memory_space<vmem>>) target_semaphore(%arg32 : memref<!tpu.dma_semaphore, #tpu.memory_space<semaphore_mem>>)
    %get3A_71 = arith.constant 80 : index
    %get3A_72 = tpu.vector_load %arg17[%get3A_71] {strides = array<i32>} : memref<10000xi32, #tpu.memory_space<vmem>>, vector<16xi32>,
    %swap3A_73 = arith.constant 0 : index
    %swap3A_74 = tpu.vector_load %arg20[%swap3A_73] {strides = array<i32>} : memref<80xi32, #tpu.memory_space<vmem>>, vector<16xi32>,
    tpu.vector_store %arg20[%swap3A_73], %get3A_72 {strides = array<i32>} : memref<80xi32, #tpu.memory_space<vmem>>, vector<16xi32>,
    %get3A_75 = arith.constant 80 : index
    %get3A_76 = tpu.vector_load %arg18[%get3A_75] {strides = array<i32>} : memref<10000xi32, #tpu.memory_space<vmem>>, vector<16xi32>,
    %swap3A_77 = arith.constant 0 : index
    %swap3A_78 = tpu.vector_load %arg22[%swap3A_77] {strides = array<i32>} : memref<80xi32, #tpu.memory_space<vmem>>, vector<16xi32>,
    tpu.vector_store %arg22[%swap3A_77], %get3A_76 {strides = array<i32>} : memref<80xi32, #tpu.memory_space<vmem>>, vector<16xi32>,
    %get3A_79 = arith.constant 96 : index
    %get3A_80 = tpu.vector_load %arg17[%get3A_79] {strides = array<i32>} : memref<10000xi32, #tpu.memory_space<vmem>>, vector<16xi32>,
    %swap3A_81 = arith.constant 16 : index
    %swap3A_82 = tpu.vector_load %arg20[%swap3A_81] {strides = array<i32>} : memref<80xi32, #tpu.memory_space<vmem>>, vector<16xi32>,
    tpu.vector_store %arg20[%swap3A_81], %get3A_80 {strides = array<i32>} : memref<80xi32, #tpu.memory_space<vmem>>, vector<16xi32>,
    %get3A_83 = arith.constant 96 : index
    %get3A_84 = tpu.vector_load %arg18[%get3A_83] {strides = array<i32>} : memref<10000xi32, #tpu.memory_space<vmem>>, vector<16xi32>,
    %swap3A_85 = arith.constant 16 : index
    %swap3A_86 = tpu.vector_load %arg22[%swap3A_85] {strides = array<i32>} : memref<80xi32, #tpu.memory_space<vmem>>, vector<16xi32>,
    tpu.vector_store %arg22[%swap3A_85], %get3A_84 {strides = array<i32>} : memref<80xi32, #tpu.memory_space<vmem>>, vector<16xi32>,
    %get3A_87 = arith.constant 112 : index
    %get3A_88 = tpu.vector_load %arg17[%get3A_87] {strides = array<i32>} : memref<10000xi32, #tpu.memory_space<vmem>>, vector<16xi32>,
    %swap3A_89 = arith.constant 32 : index
    %swap3A_90 = tpu.vector_load %arg20[%swap3A_89] {strides = array<i32>} : memref<80xi32, #tpu.memory_space<vmem>>, vector<16xi32>,
    tpu.vector_store %arg20[%swap3A_89], %get3A_88 {strides = array<i32>} : memref<80xi32, #tpu.memory_space<vmem>>, vector<16xi32>,
    %get3A_91 = arith.constant 112 : index
    %get3A_92 = tpu.vector_load %arg18[%get3A_91] {strides = array<i32>} : memref<10000xi32, #tpu.memory_space<vmem>>, vector<16xi32>,
    %swap3A_93 = arith.constant 32 : index
    %swap3A_94 = tpu.vector_load %arg22[%swap3A_93] {strides = array<i32>} : memref<80xi32, #tpu.memory_space<vmem>>, vector<16xi32>,
    tpu.vector_store %arg22[%swap3A_93], %get3A_92 {strides = array<i32>} : memref<80xi32, #tpu.memory_space<vmem>>, vector<16xi32>,
    %get3A_95 = arith.constant 128 : index
    %get3A_96 = tpu.vector_load %arg17[%get3A_95] {strides = array<i32>} : memref<10000xi32, #tpu.memory_space<vmem>>, vector<16xi32>,
    %swap3A_97 = arith.constant 48 : index
    %swap3A_98 = tpu.vector_load %arg20[%swap3A_97] {strides = array<i32>} : memref<80xi32, #tpu.memory_space<vmem>>, vector<16xi32>,
    tpu.vector_store %arg20[%swap3A_97], %get3A_96 {strides = array<i32>} : memref<80xi32, #tpu.memory_space<vmem>>, vector<16xi32>,
    %get3A_99 = arith.constant 128 : index
    %get3A_100 = tpu.vector_load %arg18[%get3A_99] {strides = array<i32>} : memref<10000xi32, #tpu.memory_space<vmem>>, vector<16xi32>,
    %swap3A_101 = arith.constant 48 : index
    %swap3A_102 = tpu.vector_load %arg22[%swap3A_101] {strides = array<i32>} : memref<80xi32, #tpu.memory_space<vmem>>, vector<16xi32>,
    tpu.vector_store %arg22[%swap3A_101], %get3A_100 {strides = array<i32>} : memref<80xi32, #tpu.memory_space<vmem>>, vector<16xi32>,
    %get3A_103 = arith.constant 144 : index
    %get3A_104 = tpu.vector_load %arg17[%get3A_103] {strides = array<i32>} : memref<10000xi32, #tpu.memory_space<vmem>>, vector<16xi32>,
    %swap3A_105 = arith.constant 64 : index
    %swap3A_106 = tpu.vector_load %arg20[%swap3A_105] {strides = array<i32>} : memref<80xi32, #tpu.memory_space<vmem>>, vector<16xi32>,
    tpu.vector_store %arg20[%swap3A_105], %get3A_104 {strides = array<i32>} : memref<80xi32, #tpu.memory_space<vmem>>, vector<16xi32>,
    %get3A_107 = arith.constant 144 : index
    %get3A_108 = tpu.vector_load %arg18[%get3A_107] {strides = array<i32>} : memref<10000xi32, #tpu.memory_space<vmem>>, vector<16xi32>,
    %swap3A_109 = arith.constant 64 : index
    %swap3A_110 = tpu.vector_load %arg22[%swap3A_109] {strides = array<i32>} : memref<80xi32, #tpu.memory_space<vmem>>, vector<16xi32>,
    tpu.vector_store %arg22[%swap3A_109], %get3A_108 {strides = array<i32>} : memref<80xi32, #tpu.memory_space<vmem>>, vector<16xi32>,
    %dma_start3A_111 = arith.constant 0 : i32
    %dma_start3A_112 = arith.constant 0 : i32
    %dma_start3A_113 = tpu.memref_slice %arg7[%dma_start3A_111, %dma_start3A_112] : memref<10000x64xf32, #tpu.memory_space<hbm>> -> memref<10000x64xf32, #tpu.memory_space<hbm>>
    tpu.enqueue_indirect_dma source(%dma_start3A_113 : memref<10000x64xf32, #tpu.memory_space<hbm>>) target(%arg26 : memref<80x64xf32, #tpu.memory_space<vmem>>) offsets(%arg20 : memref<80xi32, #tpu.memory_space<vmem>>) semaphore(%arg30 : memref<!tpu.dma_semaphore, #tpu.memory_space<semaphore_mem>>)
    %add3A_114 = arith.constant 0 : i32
    %add3A_115 = arith.addi %mul3A_2, %add3A_114 : i32
    %dma_wait3A = tpu.memref_slice %arg4[%add3A_115] : memref<320000xf32, #tpu.memory_space<hbm>> -> memref<80xf32, #tpu.memory_space<hbm>>
    %dma_wait3A_116 = tpu.memref_slice %arg4[%add3A_115] : memref<320000xf32, #tpu.memory_space<hbm>> -> memref<80xf32, #tpu.memory_space<hbm>>
    tpu.wait_dma2 semaphore(%arg31 : memref<!tpu.dma_semaphore, #tpu.memory_space<semaphore_mem>>) src(%dma_wait3A_116 : memref<80xf32, #tpu.memory_space<hbm>>) dst(%arg23 : memref<80xf32, #tpu.memory_space<vmem>>)
    %dma_wait3A_117 = arith.constant 0 : i32
    %dma_wait3A_118 = arith.constant 0 : i32
    %dma_wait3A_119 = tpu.memref_slice %arg7[%dma_wait3A_117, %dma_wait3A_118] : memref<10000x64xf32, #tpu.memory_space<hbm>> -> memref<10000x64xf32, #tpu.memory_space<hbm>>
    tpu.wait_indirect_dma semaphore(%arg29 : memref<!tpu.dma_semaphore, #tpu.memory_space<semaphore_mem>>) src(%dma_wait3A_119 : memref<10000x64xf32, #tpu.memory_space<hbm>>) dst(%arg25 : memref<80x64xf32, #tpu.memory_space<vmem>>)
    %dma_start3A_120 = arith.constant 0 : i32
    %dma_start3A_121 = arith.constant 0 : i32
    %dma_start3A_122 = tpu.memref_slice %arg28[%dma_start3A_120, %dma_start3A_121] : memref<10240x64xf32, #tpu.memory_space<vmem_shared>> -> memref<10240x64xf32, #tpu.memory_space<vmem_shared>>
    tpu.enqueue_indirect_dma source(%arg25 : memref<80x64xf32, #tpu.memory_space<vmem>>) target(%dma_start3A_122 : memref<10240x64xf32, #tpu.memory_space<vmem_shared>>) offsets(%arg21 : memref<80xi32, #tpu.memory_space<vmem>>) semaphore(%arg33 : memref<!tpu.dma_semaphore, #tpu.memory_space<semaphore_mem>>) {add = true}
    %scan3A_123 = arith.constant 0 : i32
    %scan3A_124 = arith.constant 0 : i32
    %scan3A_125 = arith.constant 61 : i32
    %scan3A_126 = arith.addi %scan3A_124, %scan3A_125 : i32
    %scan3A_127 = arith.constant 1 : i32
    scf.for %scan3A_210 = %scan3A_124 to %scan3A_126 step %scan3A_127  : i32 {
      %mul3A_211 = arith.constant 2 : i32
      %mul3A_212 = arith.muli %mul3A_211, %scan3A_210 : i32
      %add3A_213 = arith.constant 1 : i32
      %add3A_214 = arith.addi %mul3A_212, %add3A_213 : i32
      %dma_wait3A_215 = arith.constant 0 : i32
      %dma_wait3A_216 = arith.constant 0 : i32
      %dma_wait3A_217 = tpu.memref_slice %arg28[%dma_wait3A_215, %dma_wait3A_216] : memref<10240x64xf32, #tpu.memory_space<vmem_shared>> -> memref<10240x64xf32, #tpu.memory_space<vmem_shared>>
      tpu.wait_indirect_dma semaphore(%arg33 : memref<!tpu.dma_semaphore, #tpu.memory_space<semaphore_mem>>) src(%arg25 : memref<80x64xf32, #tpu.memory_space<vmem>>) dst(%dma_wait3A_217 : memref<10240x64xf32, #tpu.memory_space<vmem_shared>>)
      %add3A_218 = arith.constant 1 : i32
      %add3A_219 = arith.addi %add3A_214, %add3A_218 : i32
      %mul3A_220 = arith.constant 80 : i32
      %mul3A_221 = arith.muli %add3A_219, %mul3A_220 : i32
      %add3A_222 = arith.addi %mul3A_2, %mul3A_221 : i32
      %dma_start3A_223 = tpu.memref_slice %arg4[%add3A_222] : memref<320000xf32, #tpu.memory_space<hbm>> -> memref<80xf32, #tpu.memory_space<hbm>>
      %dma_start3A_224 = tpu.memref_slice %arg4[%add3A_222] : memref<320000xf32, #tpu.memory_space<hbm>> -> memref<80xf32, #tpu.memory_space<hbm>>
      tpu.enqueue_dma source(%dma_start3A_224 : memref<80xf32, #tpu.memory_space<hbm>>) target(%arg23 : memref<80xf32, #tpu.memory_space<vmem>>) target_semaphore(%arg31 : memref<!tpu.dma_semaphore, #tpu.memory_space<semaphore_mem>>)
      %add3A_225 = arith.constant 0 : i32
      %add3A_226 = arith.addi %mul3A_221, %add3A_225 : i32
      %get3A_227 = arith.index_cast %add3A_226 : i32 to index
      %get3A_228 = tpu.vector_load %arg17[%get3A_227] {strides = array<i32>} : memref<10000xi32, #tpu.memory_space<vmem>>, vector<16xi32>,
      %swap3A_229 = arith.constant 0 : index
      %swap3A_230 = tpu.vector_load %arg19[%swap3A_229] {strides = array<i32>} : memref<80xi32, #tpu.memory_space<vmem>>, vector<16xi32>,
      tpu.vector_store %arg19[%swap3A_229], %get3A_228 {strides = array<i32>} : memref<80xi32, #tpu.memory_space<vmem>>, vector<16xi32>,
      %add3A_231 = arith.constant 0 : i32
      %add3A_232 = arith.addi %mul3A_221, %add3A_231 : i32
      %get3A_233 = arith.index_cast %add3A_232 : i32 to index
      %get3A_234 = tpu.vector_load %arg18[%get3A_233] {strides = array<i32>} : memref<10000xi32, #tpu.memory_space<vmem>>, vector<16xi32>,
      %swap3A_235 = arith.constant 0 : index
      %swap3A_236 = tpu.vector_load %arg21[%swap3A_235] {strides = array<i32>} : memref<80xi32, #tpu.memory_space<vmem>>, vector<16xi32>,
      tpu.vector_store %arg21[%swap3A_235], %get3A_234 {strides = array<i32>} : memref<80xi32, #tpu.memory_space<vmem>>, vector<16xi32>,
      %add3A_237 = arith.constant 16 : i32
      %add3A_238 = arith.addi %mul3A_221, %add3A_237 : i32
      %get3A_239 = arith.index_cast %add3A_238 : i32 to index
      %get3A_240 = tpu.vector_load %arg17[%get3A_239] {strides = array<i32>} : memref<10000xi32, #tpu.memory_space<vmem>>, vector<16xi32>,
      %swap3A_241 = arith.constant 16 : index
      %swap3A_242 = tpu.vector_load %arg19[%swap3A_241] {strides = array<i32>} : memref<80xi32, #tpu.memory_space<vmem>>, vector<16xi32>,
      tpu.vector_store %arg19[%swap3A_241], %get3A_240 {strides = array<i32>} : memref<80xi32, #tpu.memory_space<vmem>>, vector<16xi32>,
      %add3A_243 = arith.constant 16 : i32
      %add3A_244 = arith.addi %mul3A_221, %add3A_243 : i32
      %get3A_245 = arith.index_cast %add3A_244 : i32 to index
      %get3A_246 = tpu.vector_load %arg18[%get3A_245] {strides = array<i32>} : memref<10000xi32, #tpu.memory_space<vmem>>, vector<16xi32>,
      %swap3A_247 = arith.constant 16 : index
      %swap3A_248 = tpu.vector_load %arg21[%swap3A_247] {strides = array<i32>} : memref<80xi32, #tpu.memory_space<vmem>>, vector<16xi32>,
      tpu.vector_store %arg21[%swap3A_247], %get3A_246 {strides = array<i32>} : memref<80xi32, #tpu.memory_space<vmem>>, vector<16xi32>,
      %add3A_249 = arith.constant 32 : i32
      %add3A_250 = arith.addi %mul3A_221, %add3A_249 : i32
      %get3A_251 = arith.index_cast %add3A_250 : i32 to index
      %get3A_252 = tpu.vector_load %arg17[%get3A_251] {strides = array<i32>} : memref<10000xi32, #tpu.memory_space<vmem>>, vector<16xi32>,
      %swap3A_253 = arith.constant 32 : index
      %swap3A_254 = tpu.vector_load %arg19[%swap3A_253] {strides = array<i32>} : memref<80xi32, #tpu.memory_space<vmem>>, vector<16xi32>,
      tpu.vector_store %arg19[%swap3A_253], %get3A_252 {strides = array<i32>} : memref<80xi32, #tpu.memory_space<vmem>>, vector<16xi32>,
      %add3A_255 = arith.constant 32 : i32
      %add3A_256 = arith.addi %mul3A_221, %add3A_255 : i32
      %get3A_257 = arith.index_cast %add3A_256 : i32 to index
      %get3A_258 = tpu.vector_load %arg18[%get3A_257] {strides = array<i32>} : memref<10000xi32, #tpu.memory_space<vmem>>, vector<16xi32>,
      %swap3A_259 = arith.constant 32 : index
      %swap3A_260 = tpu.vector_load %arg21[%swap3A_259] {strides = array<i32>} : memref<80xi32, #tpu.memory_space<vmem>>, vector<16xi32>,
      tpu.vector_store %arg21[%swap3A_259], %get3A_258 {strides = array<i32>} : memref<80xi32, #tpu.memory_space<vmem>>, vector<16xi32>,
      %add3A_261 = arith.constant 48 : i32
      %add3A_262 = arith.addi %mul3A_221, %add3A_261 : i32
      %get3A_263 = arith.index_cast %add3A_262 : i32 to index
      %get3A_264 = tpu.vector_load %arg17[%get3A_263] {strides = array<i32>} : memref<10000xi32, #tpu.memory_space<vmem>>, vector<16xi32>,
      %swap3A_265 = arith.constant 48 : index
      %swap3A_266 = tpu.vector_load %arg19[%swap3A_265] {strides = array<i32>} : memref<80xi32, #tpu.memory_space<vmem>>, vector<16xi32>,
      tpu.vector_store %arg19[%swap3A_265], %get3A_264 {strides = array<i32>} : memref<80xi32, #tpu.memory_space<vmem>>, vector<16xi32>,
      %add3A_267 = arith.constant 48 : i32
      %add3A_268 = arith.addi %mul3A_221, %add3A_267 : i32
      %get3A_269 = arith.index_cast %add3A_268 : i32 to index
      %get3A_270 = tpu.vector_load %arg18[%get3A_269] {strides = array<i32>} : memref<10000xi32, #tpu.memory_space<vmem>>, vector<16xi32>,
      %swap3A_271 = arith.constant 48 : index
      %swap3A_272 = tpu.vector_load %arg21[%swap3A_271] {strides = array<i32>} : memref<80xi32, #tpu.memory_space<vmem>>, vector<16xi32>,
      tpu.vector_store %arg21[%swap3A_271], %get3A_270 {strides = array<i32>} : memref<80xi32, #tpu.memory_space<vmem>>, vector<16xi32>,
      %add3A_273 = arith.constant 64 : i32
      %add3A_274 = arith.addi %mul3A_221, %add3A_273 : i32
      %get3A_275 = arith.index_cast %add3A_274 : i32 to index
      %get3A_276 = tpu.vector_load %arg17[%get3A_275] {strides = array<i32>} : memref<10000xi32, #tpu.memory_space<vmem>>, vector<16xi32>,
      %swap3A_277 = arith.constant 64 : index
      %swap3A_278 = tpu.vector_load %arg19[%swap3A_277] {strides = array<i32>} : memref<80xi32, #tpu.memory_space<vmem>>, vector<16xi32>,
      tpu.vector_store %arg19[%swap3A_277], %get3A_276 {strides = array<i32>} : memref<80xi32, #tpu.memory_space<vmem>>, vector<16xi32>,
      %add3A_279 = arith.constant 64 : i32
      %add3A_280 = arith.addi %mul3A_221, %add3A_279 : i32
      %get3A_281 = arith.index_cast %add3A_280 : i32 to index
      %get3A_282 = tpu.vector_load %arg18[%get3A_281] {strides = array<i32>} : memref<10000xi32, #tpu.memory_space<vmem>>, vector<16xi32>,
      %swap3A_283 = arith.constant 64 : index
      %swap3A_284 = tpu.vector_load %arg21[%swap3A_283] {strides = array<i32>} : memref<80xi32, #tpu.memory_space<vmem>>, vector<16xi32>,
      tpu.vector_store %arg21[%swap3A_283], %get3A_282 {strides = array<i32>} : memref<80xi32, #tpu.memory_space<vmem>>, vector<16xi32>,
      %dma_start3A_285 = arith.constant 0 : i32
      %dma_start3A_286 = arith.constant 0 : i32
      %dma_start3A_287 = tpu.memref_slice %arg7[%dma_start3A_285, %dma_start3A_286] : memref<10000x64xf32, #tpu.memory_space<hbm>> -> memref<10000x64xf32, #tpu.memory_space<hbm>>
      tpu.enqueue_indirect_dma source(%dma_start3A_287 : memref<10000x64xf32, #tpu.memory_space<hbm>>) target(%arg25 : memref<80x64xf32, #tpu.memory_space<vmem>>) offsets(%arg19 : memref<80xi32, #tpu.memory_space<vmem>>) semaphore(%arg29 : memref<!tpu.dma_semaphore, #tpu.memory_space<semaphore_mem>>)
      %mul3A_288 = arith.constant 80 : i32
      %mul3A_289 = arith.muli %add3A_214, %mul3A_288 : i32
      %add3A_290 = arith.addi %mul3A_2, %mul3A_289 : i32
      %dma_wait3A_291 = tpu.memref_slice %arg4[%add3A_290] : memref<320000xf32, #tpu.memory_space<hbm>> -> memref<80xf32, #tpu.memory_space<hbm>>
      %dma_wait3A_292 = tpu.memref_slice %arg4[%add3A_290] : memref<320000xf32, #tpu.memory_space<hbm>> -> memref<80xf32, #tpu.memory_space<hbm>>
      tpu.wait_dma2 semaphore(%arg32 : memref<!tpu.dma_semaphore, #tpu.memory_space<semaphore_mem>>) src(%dma_wait3A_292 : memref<80xf32, #tpu.memory_space<hbm>>) dst(%arg24 : memref<80xf32, #tpu.memory_space<vmem>>)
      %dma_wait3A_293 = arith.constant 0 : i32
      %dma_wait3A_294 = arith.constant 0 : i32
      %dma_wait3A_295 = tpu.memref_slice %arg7[%dma_wait3A_293, %dma_wait3A_294] : memref<10000x64xf32, #tpu.memory_space<hbm>> -> memref<10000x64xf32, #tpu.memory_space<hbm>>
      tpu.wait_indirect_dma semaphore(%arg30 : memref<!tpu.dma_semaphore, #tpu.memory_space<semaphore_mem>>) src(%dma_wait3A_295 : memref<10000x64xf32, #tpu.memory_space<hbm>>) dst(%arg26 : memref<80x64xf32, #tpu.memory_space<vmem>>)
      %dma_start3A_296 = arith.constant 0 : i32
      %dma_start3A_297 = arith.constant 0 : i32
      %dma_start3A_298 = tpu.memref_slice %arg28[%dma_start3A_296, %dma_start3A_297] : memref<10240x64xf32, #tpu.memory_space<vmem_shared>> -> memref<10240x64xf32, #tpu.memory_space<vmem_shared>>
      tpu.enqueue_indirect_dma source(%arg26 : memref<80x64xf32, #tpu.memory_space<vmem>>) target(%dma_start3A_298 : memref<10240x64xf32, #tpu.memory_space<vmem_shared>>) offsets(%arg22 : memref<80xi32, #tpu.memory_space<vmem>>) semaphore(%arg34 : memref<!tpu.dma_semaphore, #tpu.memory_space<semaphore_mem>>) {add = true}
      %mul3A_299 = arith.constant 2 : i32
      %mul3A_300 = arith.muli %mul3A_299, %scan3A_210 : i32
      %add3A_301 = arith.constant 2 : i32
      %add3A_302 = arith.addi %mul3A_300, %add3A_301 : i32
      %dma_wait3A_303 = arith.constant 0 : i32
      %dma_wait3A_304 = arith.constant 0 : i32
      %dma_wait3A_305 = tpu.memref_slice %arg28[%dma_wait3A_303, %dma_wait3A_304] : memref<10240x64xf32, #tpu.memory_space<vmem_shared>> -> memref<10240x64xf32, #tpu.memory_space<vmem_shared>>
      tpu.wait_indirect_dma semaphore(%arg34 : memref<!tpu.dma_semaphore, #tpu.memory_space<semaphore_mem>>) src(%arg26 : memref<80x64xf32, #tpu.memory_space<vmem>>) dst(%dma_wait3A_305 : memref<10240x64xf32, #tpu.memory_space<vmem_shared>>)
      %add3A_306 = arith.constant 1 : i32
      %add3A_307 = arith.addi %add3A_302, %add3A_306 : i32
      %mul3A_308 = arith.constant 80 : i32
      %mul3A_309 = arith.muli %add3A_307, %mul3A_308 : i32
      %add3A_310 = arith.addi %mul3A_2, %mul3A_309 : i32
      %dma_start3A_311 = tpu.memref_slice %arg4[%add3A_310] : memref<320000xf32, #tpu.memory_space<hbm>> -> memref<80xf32, #tpu.memory_space<hbm>>
      %dma_start3A_312 = tpu.memref_slice %arg4[%add3A_310] : memref<320000xf32, #tpu.memory_space<hbm>> -> memref<80xf32, #tpu.memory_space<hbm>>
      tpu.enqueue_dma source(%dma_start3A_312 : memref<80xf32, #tpu.memory_space<hbm>>) target(%arg24 : memref<80xf32, #tpu.memory_space<vmem>>) target_semaphore(%arg32 : memref<!tpu.dma_semaphore, #tpu.memory_space<semaphore_mem>>)
      %add3A_313 = arith.constant 0 : i32
      %add3A_314 = arith.addi %mul3A_309, %add3A_313 : i32
      %get3A_315 = arith.index_cast %add3A_314 : i32 to index
      %get3A_316 = tpu.vector_load %arg17[%get3A_315] {strides = array<i32>} : memref<10000xi32, #tpu.memory_space<vmem>>, vector<16xi32>,
      %swap3A_317 = arith.constant 0 : index
      %swap3A_318 = tpu.vector_load %arg20[%swap3A_317] {strides = array<i32>} : memref<80xi32, #tpu.memory_space<vmem>>, vector<16xi32>,
      tpu.vector_store %arg20[%swap3A_317], %get3A_316 {strides = array<i32>} : memref<80xi32, #tpu.memory_space<vmem>>, vector<16xi32>,
      %add3A_319 = arith.constant 0 : i32
      %add3A_320 = arith.addi %mul3A_309, %add3A_319 : i32
      %get3A_321 = arith.index_cast %add3A_320 : i32 to index
      %get3A_322 = tpu.vector_load %arg18[%get3A_321] {strides = array<i32>} : memref<10000xi32, #tpu.memory_space<vmem>>, vector<16xi32>,
      %swap3A_323 = arith.constant 0 : index
      %swap3A_324 = tpu.vector_load %arg22[%swap3A_323] {strides = array<i32>} : memref<80xi32, #tpu.memory_space<vmem>>, vector<16xi32>,
      tpu.vector_store %arg22[%swap3A_323], %get3A_322 {strides = array<i32>} : memref<80xi32, #tpu.memory_space<vmem>>, vector<16xi32>,
      %add3A_325 = arith.constant 16 : i32
      %add3A_326 = arith.addi %mul3A_309, %add3A_325 : i32
      %get3A_327 = arith.index_cast %add3A_326 : i32 to index
      %get3A_328 = tpu.vector_load %arg17[%get3A_327] {strides = array<i32>} : memref<10000xi32, #tpu.memory_space<vmem>>, vector<16xi32>,
      %swap3A_329 = arith.constant 16 : index
      %swap3A_330 = tpu.vector_load %arg20[%swap3A_329] {strides = array<i32>} : memref<80xi32, #tpu.memory_space<vmem>>, vector<16xi32>,
      tpu.vector_store %arg20[%swap3A_329], %get3A_328 {strides = array<i32>} : memref<80xi32, #tpu.memory_space<vmem>>, vector<16xi32>,
      %add3A_331 = arith.constant 16 : i32
      %add3A_332 = arith.addi %mul3A_309, %add3A_331 : i32
      %get3A_333 = arith.index_cast %add3A_332 : i32 to index
      %get3A_334 = tpu.vector_load %arg18[%get3A_333] {strides = array<i32>} : memref<10000xi32, #tpu.memory_space<vmem>>, vector<16xi32>,
      %swap3A_335 = arith.constant 16 : index
      %swap3A_336 = tpu.vector_load %arg22[%swap3A_335] {strides = array<i32>} : memref<80xi32, #tpu.memory_space<vmem>>, vector<16xi32>,
      tpu.vector_store %arg22[%swap3A_335], %get3A_334 {strides = array<i32>} : memref<80xi32, #tpu.memory_space<vmem>>, vector<16xi32>,
      %add3A_337 = arith.constant 32 : i32
      %add3A_338 = arith.addi %mul3A_309, %add3A_337 : i32
      %get3A_339 = arith.index_cast %add3A_338 : i32 to index
      %get3A_340 = tpu.vector_load %arg17[%get3A_339] {strides = array<i32>} : memref<10000xi32, #tpu.memory_space<vmem>>, vector<16xi32>,
      %swap3A_341 = arith.constant 32 : index
      %swap3A_342 = tpu.vector_load %arg20[%swap3A_341] {strides = array<i32>} : memref<80xi32, #tpu.memory_space<vmem>>, vector<16xi32>,
      tpu.vector_store %arg20[%swap3A_341], %get3A_340 {strides = array<i32>} : memref<80xi32, #tpu.memory_space<vmem>>, vector<16xi32>,
      %add3A_343 = arith.constant 32 : i32
      %add3A_344 = arith.addi %mul3A_309, %add3A_343 : i32
      %get3A_345 = arith.index_cast %add3A_344 : i32 to index
      %get3A_346 = tpu.vector_load %arg18[%get3A_345] {strides = array<i32>} : memref<10000xi32, #tpu.memory_space<vmem>>, vector<16xi32>,
      %swap3A_347 = arith.constant 32 : index
      %swap3A_348 = tpu.vector_load %arg22[%swap3A_347] {strides = array<i32>} : memref<80xi32, #tpu.memory_space<vmem>>, vector<16xi32>,
      tpu.vector_store %arg22[%swap3A_347], %get3A_346 {strides = array<i32>} : memref<80xi32, #tpu.memory_space<vmem>>, vector<16xi32>,
      %add3A_349 = arith.constant 48 : i32
      %add3A_350 = arith.addi %mul3A_309, %add3A_349 : i32
      %get3A_351 = arith.index_cast %add3A_350 : i32 to index
      %get3A_352 = tpu.vector_load %arg17[%get3A_351] {strides = array<i32>} : memref<10000xi32, #tpu.memory_space<vmem>>, vector<16xi32>,
      %swap3A_353 = arith.constant 48 : index
      %swap3A_354 = tpu.vector_load %arg20[%swap3A_353] {strides = array<i32>} : memref<80xi32, #tpu.memory_space<vmem>>, vector<16xi32>,
      tpu.vector_store %arg20[%swap3A_353], %get3A_352 {strides = array<i32>} : memref<80xi32, #tpu.memory_space<vmem>>, vector<16xi32>,
      %add3A_355 = arith.constant 48 : i32
      %add3A_356 = arith.addi %mul3A_309, %add3A_355 : i32
      %get3A_357 = arith.index_cast %add3A_356 : i32 to index
      %get3A_358 = tpu.vector_load %arg18[%get3A_357] {strides = array<i32>} : memref<10000xi32, #tpu.memory_space<vmem>>, vector<16xi32>,
      %swap3A_359 = arith.constant 48 : index
      %swap3A_360 = tpu.vector_load %arg22[%swap3A_359] {strides = array<i32>} : memref<80xi32, #tpu.memory_space<vmem>>, vector<16xi32>,
      tpu.vector_store %arg22[%swap3A_359], %get3A_358 {strides = array<i32>} : memref<80xi32, #tpu.memory_space<vmem>>, vector<16xi32>,
      %add3A_361 = arith.constant 64 : i32
      %add3A_362 = arith.addi %mul3A_309, %add3A_361 : i32
      %get3A_363 = arith.index_cast %add3A_362 : i32 to index
      %get3A_364 = tpu.vector_load %arg17[%get3A_363] {strides = array<i32>} : memref<10000xi32, #tpu.memory_space<vmem>>, vector<16xi32>,
      %swap3A_365 = arith.constant 64 : index
      %swap3A_366 = tpu.vector_load %arg20[%swap3A_365] {strides = array<i32>} : memref<80xi32, #tpu.memory_space<vmem>>, vector<16xi32>,
      tpu.vector_store %arg20[%swap3A_365], %get3A_364 {strides = array<i32>} : memref<80xi32, #tpu.memory_space<vmem>>, vector<16xi32>,
      %add3A_367 = arith.constant 64 : i32
      %add3A_368 = arith.addi %mul3A_309, %add3A_367 : i32
      %get3A_369 = arith.index_cast %add3A_368 : i32 to index
      %get3A_370 = tpu.vector_load %arg18[%get3A_369] {strides = array<i32>} : memref<10000xi32, #tpu.memory_space<vmem>>, vector<16xi32>,
      %swap3A_371 = arith.constant 64 : index
      %swap3A_372 = tpu.vector_load %arg22[%swap3A_371] {strides = array<i32>} : memref<80xi32, #tpu.memory_space<vmem>>, vector<16xi32>,
      tpu.vector_store %arg22[%swap3A_371], %get3A_370 {strides = array<i32>} : memref<80xi32, #tpu.memory_space<vmem>>, vector<16xi32>,
      %dma_start3A_373 = arith.constant 0 : i32
      %dma_start3A_374 = arith.constant 0 : i32
      %dma_start3A_375 = tpu.memref_slice %arg7[%dma_start3A_373, %dma_start3A_374] : memref<10000x64xf32, #tpu.memory_space<hbm>> -> memref<10000x64xf32, #tpu.memory_space<hbm>>
      tpu.enqueue_indirect_dma source(%dma_start3A_375 : memref<10000x64xf32, #tpu.memory_space<hbm>>) target(%arg26 : memref<80x64xf32, #tpu.memory_space<vmem>>) offsets(%arg20 : memref<80xi32, #tpu.memory_space<vmem>>) semaphore(%arg30 : memref<!tpu.dma_semaphore, #tpu.memory_space<semaphore_mem>>)
      %mul3A_376 = arith.constant 80 : i32
      %mul3A_377 = arith.muli %add3A_302, %mul3A_376 : i32
      %add3A_378 = arith.addi %mul3A_2, %mul3A_377 : i32
      %dma_wait3A_379 = tpu.memref_slice %arg4[%add3A_378] : memref<320000xf32, #tpu.memory_space<hbm>> -> memref<80xf32, #tpu.memory_space<hbm>>
      %dma_wait3A_380 = tpu.memref_slice %arg4[%add3A_378] : memref<320000xf32, #tpu.memory_space<hbm>> -> memref<80xf32, #tpu.memory_space<hbm>>
      tpu.wait_dma2 semaphore(%arg31 : memref<!tpu.dma_semaphore, #tpu.memory_space<semaphore_mem>>) src(%dma_wait3A_380 : memref<80xf32, #tpu.memory_space<hbm>>) dst(%arg23 : memref<80xf32, #tpu.memory_space<vmem>>)
      %dma_wait3A_381 = arith.constant 0 : i32
      %dma_wait3A_382 = arith.constant 0 : i32
      %dma_wait3A_383 = tpu.memref_slice %arg7[%dma_wait3A_381, %dma_wait3A_382] : memref<10000x64xf32, #tpu.memory_space<hbm>> -> memref<10000x64xf32, #tpu.memory_space<hbm>>
      tpu.wait_indirect_dma semaphore(%arg29 : memref<!tpu.dma_semaphore, #tpu.memory_space<semaphore_mem>>) src(%dma_wait3A_383 : memref<10000x64xf32, #tpu.memory_space<hbm>>) dst(%arg25 : memref<80x64xf32, #tpu.memory_space<vmem>>)
      %dma_start3A_384 = arith.constant 0 : i32
      %dma_start3A_385 = arith.constant 0 : i32
      %dma_start3A_386 = tpu.memref_slice %arg28[%dma_start3A_384, %dma_start3A_385] : memref<10240x64xf32, #tpu.memory_space<vmem_shared>> -> memref<10240x64xf32, #tpu.memory_space<vmem_shared>>
      tpu.enqueue_indirect_dma source(%arg25 : memref<80x64xf32, #tpu.memory_space<vmem>>) target(%dma_start3A_386 : memref<10240x64xf32, #tpu.memory_space<vmem_shared>>) offsets(%arg21 : memref<80xi32, #tpu.memory_space<vmem>>) semaphore(%arg33 : memref<!tpu.dma_semaphore, #tpu.memory_space<semaphore_mem>>) {add = true}
    }
    %scan3A_128 = arith.constant 61 : i32
    %dma_wait3A_129 = arith.constant 0 : i32
    %dma_wait3A_130 = arith.constant 0 : i32
    %dma_wait3A_131 = tpu.memref_slice %arg28[%dma_wait3A_129, %dma_wait3A_130] : memref<10240x64xf32, #tpu.memory_space<vmem_shared>> -> memref<10240x64xf32, #tpu.memory_space<vmem_shared>>
    tpu.wait_indirect_dma semaphore(%arg33 : memref<!tpu.dma_semaphore, #tpu.memory_space<semaphore_mem>>) src(%arg25 : memref<80x64xf32, #tpu.memory_space<vmem>>) dst(%dma_wait3A_131 : memref<10240x64xf32, #tpu.memory_space<vmem_shared>>)
    %add3A_132 = arith.constant 9920 : i32
    %add3A_133 = arith.addi %mul3A_2, %add3A_132 : i32
    %dma_start3A_134 = tpu.memref_slice %arg4[%add3A_133] : memref<320000xf32, #tpu.memory_space<hbm>> -> memref<80xf32, #tpu.memory_space<hbm>>
    %dma_start3A_135 = tpu.memref_slice %arg4[%add3A_133] : memref<320000xf32, #tpu.memory_space<hbm>> -> memref<80xf32, #tpu.memory_space<hbm>>
    tpu.enqueue_dma source(%dma_start3A_135 : memref<80xf32, #tpu.memory_space<hbm>>) target(%arg23 : memref<80xf32, #tpu.memory_space<vmem>>) target_semaphore(%arg31 : memref<!tpu.dma_semaphore, #tpu.memory_space<semaphore_mem>>)
    %get3A_136 = arith.constant 9920 : index
    %get3A_137 = tpu.vector_load %arg17[%get3A_136] {strides = array<i32>} : memref<10000xi32, #tpu.memory_space<vmem>>, vector<16xi32>,
    %swap3A_138 = arith.constant 0 : index
    %swap3A_139 = tpu.vector_load %arg19[%swap3A_138] {strides = array<i32>} : memref<80xi32, #tpu.memory_space<vmem>>, vector<16xi32>,
    tpu.vector_store %arg19[%swap3A_138], %get3A_137 {strides = array<i32>} : memref<80xi32, #tpu.memory_space<vmem>>, vector<16xi32>,
    %get3A_140 = arith.constant 9920 : index
    %get3A_141 = tpu.vector_load %arg18[%get3A_140] {strides = array<i32>} : memref<10000xi32, #tpu.memory_space<vmem>>, vector<16xi32>,
    %swap3A_142 = arith.constant 0 : index
    %swap3A_143 = tpu.vector_load %arg21[%swap3A_142] {strides = array<i32>} : memref<80xi32, #tpu.memory_space<vmem>>, vector<16xi32>,
    tpu.vector_store %arg21[%swap3A_142], %get3A_141 {strides = array<i32>} : memref<80xi32, #tpu.memory_space<vmem>>, vector<16xi32>,
    %get3A_144 = arith.constant 9936 : index
    %get3A_145 = tpu.vector_load %arg17[%get3A_144] {strides = array<i32>} : memref<10000xi32, #tpu.memory_space<vmem>>, vector<16xi32>,
    %swap3A_146 = arith.constant 16 : index
    %swap3A_147 = tpu.vector_load %arg19[%swap3A_146] {strides = array<i32>} : memref<80xi32, #tpu.memory_space<vmem>>, vector<16xi32>,
    tpu.vector_store %arg19[%swap3A_146], %get3A_145 {strides = array<i32>} : memref<80xi32, #tpu.memory_space<vmem>>, vector<16xi32>,
    %get3A_148 = arith.constant 9936 : index
    %get3A_149 = tpu.vector_load %arg18[%get3A_148] {strides = array<i32>} : memref<10000xi32, #tpu.memory_space<vmem>>, vector<16xi32>,
    %swap3A_150 = arith.constant 16 : index
    %swap3A_151 = tpu.vector_load %arg21[%swap3A_150] {strides = array<i32>} : memref<80xi32, #tpu.memory_space<vmem>>, vector<16xi32>,
    tpu.vector_store %arg21[%swap3A_150], %get3A_149 {strides = array<i32>} : memref<80xi32, #tpu.memory_space<vmem>>, vector<16xi32>,
    %get3A_152 = arith.constant 9952 : index
    %get3A_153 = tpu.vector_load %arg17[%get3A_152] {strides = array<i32>} : memref<10000xi32, #tpu.memory_space<vmem>>, vector<16xi32>,
    %swap3A_154 = arith.constant 32 : index
    %swap3A_155 = tpu.vector_load %arg19[%swap3A_154] {strides = array<i32>} : memref<80xi32, #tpu.memory_space<vmem>>, vector<16xi32>,
    tpu.vector_store %arg19[%swap3A_154], %get3A_153 {strides = array<i32>} : memref<80xi32, #tpu.memory_space<vmem>>, vector<16xi32>,
    %get3A_156 = arith.constant 9952 : index
    %get3A_157 = tpu.vector_load %arg18[%get3A_156] {strides = array<i32>} : memref<10000xi32, #tpu.memory_space<vmem>>, vector<16xi32>,
    %swap3A_158 = arith.constant 32 : index
    %swap3A_159 = tpu.vector_load %arg21[%swap3A_158] {strides = array<i32>} : memref<80xi32, #tpu.memory_space<vmem>>, vector<16xi32>,
    tpu.vector_store %arg21[%swap3A_158], %get3A_157 {strides = array<i32>} : memref<80xi32, #tpu.memory_space<vmem>>, vector<16xi32>,
    %get3A_160 = arith.constant 9968 : index
    %get3A_161 = tpu.vector_load %arg17[%get3A_160] {strides = array<i32>} : memref<10000xi32, #tpu.memory_space<vmem>>, vector<16xi32>,
    %swap3A_162 = arith.constant 48 : index
    %swap3A_163 = tpu.vector_load %arg19[%swap3A_162] {strides = array<i32>} : memref<80xi32, #tpu.memory_space<vmem>>, vector<16xi32>,
    tpu.vector_store %arg19[%swap3A_162], %get3A_161 {strides = array<i32>} : memref<80xi32, #tpu.memory_space<vmem>>, vector<16xi32>,
    %get3A_164 = arith.constant 9968 : index
    %get3A_165 = tpu.vector_load %arg18[%get3A_164] {strides = array<i32>} : memref<10000xi32, #tpu.memory_space<vmem>>, vector<16xi32>,
    %swap3A_166 = arith.constant 48 : index
    %swap3A_167 = tpu.vector_load %arg21[%swap3A_166] {strides = array<i32>} : memref<80xi32, #tpu.memory_space<vmem>>, vector<16xi32>,
    tpu.vector_store %arg21[%swap3A_166], %get3A_165 {strides = array<i32>} : memref<80xi32, #tpu.memory_space<vmem>>, vector<16xi32>,
    %get3A_168 = arith.constant 9984 : index
    %get3A_169 = tpu.vector_load %arg17[%get3A_168] {strides = array<i32>} : memref<10000xi32, #tpu.memory_space<vmem>>, vector<16xi32>,
    %swap3A_170 = arith.constant 64 : index
    %swap3A_171 = tpu.vector_load %arg19[%swap3A_170] {strides = array<i32>} : memref<80xi32, #tpu.memory_space<vmem>>, vector<16xi32>,
    tpu.vector_store %arg19[%swap3A_170], %get3A_169 {strides = array<i32>} : memref<80xi32, #tpu.memory_space<vmem>>, vector<16xi32>,
    %get3A_172 = arith.constant 9984 : index
    %get3A_173 = tpu.vector_load %arg18[%get3A_172] {strides = array<i32>} : memref<10000xi32, #tpu.memory_space<vmem>>, vector<16xi32>,
    %swap3A_174 = arith.constant 64 : index
    %swap3A_175 = tpu.vector_load %arg21[%swap3A_174] {strides = array<i32>} : memref<80xi32, #tpu.memory_space<vmem>>, vector<16xi32>,
    tpu.vector_store %arg21[%swap3A_174], %get3A_173 {strides = array<i32>} : memref<80xi32, #tpu.memory_space<vmem>>, vector<16xi32>,
    %dma_start3A_176 = arith.constant 0 : i32
    %dma_start3A_177 = arith.constant 0 : i32
    %dma_start3A_178 = tpu.memref_slice %arg7[%dma_start3A_176, %dma_start3A_177] : memref<10000x64xf32, #tpu.memory_space<hbm>> -> memref<10000x64xf32, #tpu.memory_space<hbm>>
    tpu.enqueue_indirect_dma source(%dma_start3A_178 : memref<10000x64xf32, #tpu.memory_space<hbm>>) target(%arg25 : memref<80x64xf32, #tpu.memory_space<vmem>>) offsets(%arg19 : memref<80xi32, #tpu.memory_space<vmem>>) semaphore(%arg29 : memref<!tpu.dma_semaphore, #tpu.memory_space<semaphore_mem>>)
    %add3A_179 = arith.constant 9840 : i32
    %add3A_180 = arith.addi %mul3A_2, %add3A_179 : i32
    %dma_wait3A_181 = tpu.memref_slice %arg4[%add3A_180] : memref<320000xf32, #tpu.memory_space<hbm>> -> memref<80xf32, #tpu.memory_space<hbm>>
    %dma_wait3A_182 = tpu.memref_slice %arg4[%add3A_180] : memref<320000xf32, #tpu.memory_space<hbm>> -> memref<80xf32, #tpu.memory_space<hbm>>
    tpu.wait_dma2 semaphore(%arg32 : memref<!tpu.dma_semaphore, #tpu.memory_space<semaphore_mem>>) src(%dma_wait3A_182 : memref<80xf32, #tpu.memory_space<hbm>>) dst(%arg24 : memref<80xf32, #tpu.memory_space<vmem>>)
    %dma_wait3A_183 = arith.constant 0 : i32
    %dma_wait3A_184 = arith.constant 0 : i32
    %dma_wait3A_185 = tpu.memref_slice %arg7[%dma_wait3A_183, %dma_wait3A_184] : memref<10000x64xf32, #tpu.memory_space<hbm>> -> memref<10000x64xf32, #tpu.memory_space<hbm>>
    tpu.wait_indirect_dma semaphore(%arg30 : memref<!tpu.dma_semaphore, #tpu.memory_space<semaphore_mem>>) src(%dma_wait3A_185 : memref<10000x64xf32, #tpu.memory_space<hbm>>) dst(%arg26 : memref<80x64xf32, #tpu.memory_space<vmem>>)
    %dma_start3A_186 = arith.constant 0 : i32
    %dma_start3A_187 = arith.constant 0 : i32
    %dma_start3A_188 = tpu.memref_slice %arg28[%dma_start3A_186, %dma_start3A_187] : memref<10240x64xf32, #tpu.memory_space<vmem_shared>> -> memref<10240x64xf32, #tpu.memory_space<vmem_shared>>
    tpu.enqueue_indirect_dma source(%arg26 : memref<80x64xf32, #tpu.memory_space<vmem>>) target(%dma_start3A_188 : memref<10240x64xf32, #tpu.memory_space<vmem_shared>>) offsets(%arg22 : memref<80xi32, #tpu.memory_space<vmem>>) semaphore(%arg34 : memref<!tpu.dma_semaphore, #tpu.memory_space<semaphore_mem>>) {add = true}
    %add3A_189 = arith.constant 9920 : i32
    %add3A_190 = arith.addi %mul3A_2, %add3A_189 : i32
    %dma_wait3A_191 = tpu.memref_slice %arg4[%add3A_190] : memref<320000xf32, #tpu.memory_space<hbm>> -> memref<80xf32, #tpu.memory_space<hbm>>
    %dma_wait3A_192 = tpu.memref_slice %arg4[%add3A_190] : memref<320000xf32, #tpu.memory_space<hbm>> -> memref<80xf32, #tpu.memory_space<hbm>>
    tpu.wait_dma2 semaphore(%arg31 : memref<!tpu.dma_semaphore, #tpu.memory_space<semaphore_mem>>) src(%dma_wait3A_192 : memref<80xf32, #tpu.memory_space<hbm>>) dst(%arg23 : memref<80xf32, #tpu.memory_space<vmem>>)
    %dma_wait3A_193 = arith.constant 0 : i32
    %dma_wait3A_194 = arith.constant 0 : i32
    %dma_wait3A_195 = tpu.memref_slice %arg7[%dma_wait3A_193, %dma_wait3A_194] : memref<10000x64xf32, #tpu.memory_space<hbm>> -> memref<10000x64xf32, #tpu.memory_space<hbm>>
    tpu.wait_indirect_dma semaphore(%arg29 : memref<!tpu.dma_semaphore, #tpu.memory_space<semaphore_mem>>) src(%dma_wait3A_195 : memref<10000x64xf32, #tpu.memory_space<hbm>>) dst(%arg25 : memref<80x64xf32, #tpu.memory_space<vmem>>)
    "tpu.region"() ({
      %run_scoped3A = tpu.sem_alloc : memref<!tpu.dma_semaphore, #tpu.memory_space<semaphore_mem>>
      %dma_start3A_210 = arith.constant 0 : i32
      %dma_start3A_211 = arith.constant 0 : i32
      %dma_start3A_212 = tpu.memref_slice %arg28[%dma_start3A_210, %dma_start3A_211] : memref<10240x64xf32, #tpu.memory_space<vmem_shared>> -> memref<10240x64xf32, #tpu.memory_space<vmem_shared>>
      tpu.enqueue_indirect_dma source(%arg25 : memref<80x64xf32, #tpu.memory_space<vmem>>) target(%dma_start3A_212 : memref<10240x64xf32, #tpu.memory_space<vmem_shared>>) offsets(%arg21 : memref<80xi32, #tpu.memory_space<vmem>>) semaphore(%run_scoped3A : memref<!tpu.dma_semaphore, #tpu.memory_space<semaphore_mem>>) {add = true}
      %dma_wait3A_213 = arith.constant 0 : i32
      %dma_wait3A_214 = arith.constant 0 : i32
      %dma_wait3A_215 = tpu.memref_slice %arg28[%dma_wait3A_213, %dma_wait3A_214] : memref<10240x64xf32, #tpu.memory_space<vmem_shared>> -> memref<10240x64xf32, #tpu.memory_space<vmem_shared>>
      tpu.wait_indirect_dma semaphore(%run_scoped3A : memref<!tpu.dma_semaphore, #tpu.memory_space<semaphore_mem>>) src(%arg25 : memref<80x64xf32, #tpu.memory_space<vmem>>) dst(%dma_wait3A_215 : memref<10240x64xf32, #tpu.memory_space<vmem_shared>>)
      tpu.yield
    }) : () -> ()
    %dma_wait3A_196 = arith.constant 0 : i32
    %dma_wait3A_197 = arith.constant 0 : i32
    %dma_wait3A_198 = tpu.memref_slice %arg28[%dma_wait3A_196, %dma_wait3A_197] : memref<10240x64xf32, #tpu.memory_space<vmem_shared>> -> memref<10240x64xf32, #tpu.memory_space<vmem_shared>>
    tpu.wait_indirect_dma semaphore(%arg34 : memref<!tpu.dma_semaphore, #tpu.memory_space<semaphore_mem>>) src(%arg26 : memref<80x64xf32, #tpu.memory_space<vmem>>) dst(%dma_wait3A_198 : memref<10240x64xf32, #tpu.memory_space<vmem_shared>>)
    %barrier3A_199 = arith.constant 0 : index
    tpu.barrier barrier_id(%barrier3A_199)
    %mul3A_200 = arith.constant 10240 : i32
    %mul3A_201 = arith.muli %add3A, %mul3A_200 : i32
    "tpu.region"() ({
      %run_scoped3A = tpu.sem_alloc : memref<!tpu.dma_semaphore, #tpu.memory_space<semaphore_mem>>
      %dma_start3A_210 = tpu.memref_slice %arg9[%mul3A_201] : memref<327680xf32, #tpu.memory_space<hbm>> -> memref<10000xf32, #tpu.memory_space<hbm>>
      %dma_start3A_211 = tpu.memref_slice %arg9[%mul3A_201] : memref<327680xf32, #tpu.memory_space<hbm>> -> memref<10000xf32, #tpu.memory_space<hbm>>
      tpu.enqueue_dma source(%arg14 : memref<10000xf32, #tpu.memory_space<vmem>>) target(%dma_start3A_211 : memref<10000xf32, #tpu.memory_space<hbm>>) target_semaphore(%run_scoped3A : memref<!tpu.dma_semaphore, #tpu.memory_space<semaphore_mem>>)
      %dma_wait3A_212 = tpu.memref_slice %arg9[%mul3A_201] : memref<327680xf32, #tpu.memory_space<hbm>> -> memref<10000xf32, #tpu.memory_space<hbm>>
      %dma_wait3A_213 = tpu.memref_slice %arg9[%mul3A_201] : memref<327680xf32, #tpu.memory_space<hbm>> -> memref<10000xf32, #tpu.memory_space<hbm>>
      tpu.wait_dma2 semaphore(%run_scoped3A : memref<!tpu.dma_semaphore, #tpu.memory_space<semaphore_mem>>) src(%arg14 : memref<10000xf32, #tpu.memory_space<vmem>>) dst(%dma_wait3A_213 : memref<10000xf32, #tpu.memory_space<hbm>>)
      tpu.yield
    }) : () -> ()
    %mul3A_202 = arith.constant 10240 : i32
    %mul3A_203 = arith.muli %add3A, %mul3A_202 : i32
    "tpu.region"() ({
      %run_scoped3A = tpu.sem_alloc : memref<!tpu.dma_semaphore, #tpu.memory_space<semaphore_mem>>
      %dma_start3A_210 = tpu.memref_slice %arg10[%mul3A_203] : memref<327680xf32, #tpu.memory_space<hbm>> -> memref<10000xf32, #tpu.memory_space<hbm>>
      %dma_start3A_211 = tpu.memref_slice %arg10[%mul3A_203] : memref<327680xf32, #tpu.memory_space<hbm>> -> memref<10000xf32, #tpu.memory_space<hbm>>
      tpu.enqueue_dma source(%arg15 : memref<10000xf32, #tpu.memory_space<vmem>>) target(%dma_start3A_211 : memref<10000xf32, #tpu.memory_space<hbm>>) target_semaphore(%run_scoped3A : memref<!tpu.dma_semaphore, #tpu.memory_space<semaphore_mem>>)
      %dma_wait3A_212 = tpu.memref_slice %arg10[%mul3A_203] : memref<327680xf32, #tpu.memory_space<hbm>> -> memref<10000xf32, #tpu.memory_space<hbm>>
      %dma_wait3A_213 = tpu.memref_slice %arg10[%mul3A_203] : memref<327680xf32, #tpu.memory_space<hbm>> -> memref<10000xf32, #tpu.memory_space<hbm>>
      tpu.wait_dma2 semaphore(%run_scoped3A : memref<!tpu.dma_semaphore, #tpu.memory_space<semaphore_mem>>) src(%arg15 : memref<10000xf32, #tpu.memory_space<vmem>>) dst(%dma_wait3A_213 : memref<10000xf32, #tpu.memory_space<hbm>>)
      tpu.yield
    }) : () -> ()
    %mul3A_204 = arith.constant 10240 : i32
    %mul3A_205 = arith.muli %add3A, %mul3A_204 : i32
    "tpu.region"() ({
      %run_scoped3A = tpu.sem_alloc : memref<!tpu.dma_semaphore, #tpu.memory_space<semaphore_mem>>
      %dma_start3A_210 = tpu.memref_slice %arg11[%mul3A_205] : memref<327680xf32, #tpu.memory_space<hbm>> -> memref<10000xf32, #tpu.memory_space<hbm>>
      %dma_start3A_211 = tpu.memref_slice %arg11[%mul3A_205] : memref<327680xf32, #tpu.memory_space<hbm>> -> memref<10000xf32, #tpu.memory_space<hbm>>
      tpu.enqueue_dma source(%arg16 : memref<10000xf32, #tpu.memory_space<vmem>>) target(%dma_start3A_211 : memref<10000xf32, #tpu.memory_space<hbm>>) target_semaphore(%run_scoped3A : memref<!tpu.dma_semaphore, #tpu.memory_space<semaphore_mem>>)
      %dma_wait3A_212 = tpu.memref_slice %arg11[%mul3A_205] : memref<327680xf32, #tpu.memory_space<hbm>> -> memref<10000xf32, #tpu.memory_space<hbm>>
      %dma_wait3A_213 = tpu.memref_slice %arg11[%mul3A_205] : memref<327680xf32, #tpu.memory_space<hbm>> -> memref<10000xf32, #tpu.memory_space<hbm>>
      tpu.wait_dma2 semaphore(%run_scoped3A : memref<!tpu.dma_semaphore, #tpu.memory_space<semaphore_mem>>) src(%arg16 : memref<10000xf32, #tpu.memory_space<vmem>>) dst(%dma_wait3A_213 : memref<10000xf32, #tpu.memory_space<hbm>>)
      tpu.yield
    }) : () -> ()
    %mul3A_206 = arith.constant 640 : i32
    %mul3A_207 = arith.muli %arg1, %mul3A_206 : i32
    %mul3A_208 = arith.constant 640 : i32
    %mul3A_209 = arith.muli %arg1, %mul3A_208 : i32
    "tpu.region"() ({
      %run_scoped3A = tpu.sem_alloc : memref<!tpu.dma_semaphore, #tpu.memory_space<semaphore_mem>>
      %dma_start3A_210 = arith.constant 0 : i32
      %dma_start3A_211 = tpu.memref_slice %arg8[%arg0, %mul3A_209, %dma_start3A_210] : memref<2x10240x64xf32, #tpu.memory_space<hbm>> -> memref<1x640x64xf32, #tpu.memory_space<hbm>>
      %dma_start3A_212 = tpu.memref_squeeze %dma_start3A_211 : memref<1x640x64xf32, #tpu.memory_space<hbm>> -> memref<640x64xf32, #tpu.memory_space<hbm>>
      %dma_start3A_213 = arith.constant 0 : i32
      %dma_start3A_214 = tpu.memref_slice %arg28[%mul3A_207, %dma_start3A_213] : memref<10240x64xf32, #tpu.memory_space<vmem_shared>> -> memref<640x64xf32, #tpu.memory_space<vmem_shared>>
      tpu.enqueue_dma source(%dma_start3A_214 : memref<640x64xf32, #tpu.memory_space<vmem_shared>>) target(%dma_start3A_212 : memref<640x64xf32, #tpu.memory_space<hbm>>) target_semaphore(%run_scoped3A : memref<!tpu.dma_semaphore, #tpu.memory_space<semaphore_mem>>)
      %dma_wait3A_215 = arith.constant 0 : i32
      %dma_wait3A_216 = tpu.memref_slice %arg8[%arg0, %mul3A_209, %dma_wait3A_215] : memref<2x10240x64xf32, #tpu.memory_space<hbm>> -> memref<1x640x64xf32, #tpu.memory_space<hbm>>
      %dma_wait3A_217 = tpu.memref_squeeze %dma_wait3A_216 : memref<1x640x64xf32, #tpu.memory_space<hbm>> -> memref<640x64xf32, #tpu.memory_space<hbm>>
      %dma_wait3A_218 = arith.constant 0 : i32
      %dma_wait3A_219 = tpu.memref_slice %arg28[%mul3A_207, %dma_wait3A_218] : memref<10240x64xf32, #tpu.memory_space<vmem_shared>> -> memref<640x64xf32, #tpu.memory_space<vmem_shared>>
      tpu.wait_dma2 semaphore(%run_scoped3A : memref<!tpu.dma_semaphore, #tpu.memory_space<semaphore_mem>>) src(%dma_wait3A_219 : memref<640x64xf32, #tpu.memory_space<vmem_shared>>) dst(%dma_wait3A_217 : memref<640x64xf32, #tpu.memory_space<hbm>>)
      tpu.yield
    }) : () -> ()
    return
  }
}

module attributes {stable_mosaic.version = 14 : i64} {
  func.func @_pre_body(%arg0: memref<10000x128xf32, #tpu.memory_space<vmem>>, %arg1: memref<128x64xf32, #tpu.memory_space<vmem>>, %arg2: memref<64x1xf32, #tpu.memory_space<vmem>>, %arg3: memref<64x1xf32, #tpu.memory_space<vmem>>, %arg4: memref<1x64xf32, #tpu.memory_space<vmem>>, %arg5: memref<1x64xf32, #tpu.memory_space<vmem>>, %arg6: memref<2500x128xf32, #tpu.memory_space<vmem>>, %arg7: memref<10000x64xf32, #tpu.memory_space<vmem>>, %arg8: memref<10000x1xf32, #tpu.memory_space<vmem>>, %arg9: memref<10000x1xf32, #tpu.memory_space<vmem>>, %arg10: memref<2500x128xf32, #tpu.memory_space<vmem>>) attributes {dimension_semantics = [], scalar_prefetch = 0 : i64, scratch_operands = 0 : i64, tpu.core_type = #tpu.core_type<tc>} {
    %get3A = arith.constant 0 : index
    %get3A_0 = arith.constant 0 : index
    %get3A_1 = vector.load %arg0[%get3A, %get3A_0] : memref<10000x128xf32, #tpu.memory_space<vmem>>, vector<10000x128xf32>
    %get3A_2 = arith.constant 0 : index
    %get3A_3 = arith.constant 0 : index
    %get3A_4 = vector.load %arg1[%get3A_2, %get3A_3] : memref<128x64xf32, #tpu.memory_space<vmem>>, vector<128x64xf32>
    %dot_general3A = arith.constant dense<0.000000e+00> : vector<10000x64xf32>
    %dot_general3A_5 = tpu.matmul %get3A_1, %get3A_4, %dot_general3A {dimension_numbers = #tpu.dot_dimension_numbers<[1], [0], [0], [1], [0, 0, 1, 1], [], []>, transpose_lhs_hint = false} : vector<10000x128xf32>, vector<128x64xf32>, vector<10000x64xf32> -> vector<10000x64xf32>
    %swap3A = arith.constant 0 : index
    %swap3A_6 = arith.constant 0 : index
    %swap3A_7 = vector.load %arg7[%swap3A, %swap3A_6] : memref<10000x64xf32, #tpu.memory_space<vmem>>, vector<10000x64xf32>
    tpu.vector_store %arg7[%swap3A, %swap3A_6], %dot_general3A_5 {strides = array<i32>} : memref<10000x64xf32, #tpu.memory_space<vmem>>, vector<10000x64xf32>,
    %get3A_8 = arith.constant 0 : index
    %get3A_9 = arith.constant 0 : index
    %get3A_10 = vector.load %arg2[%get3A_8, %get3A_9] : memref<64x1xf32, #tpu.memory_space<vmem>>, vector<64x1xf32>
    %dot_general3A_11 = arith.constant dense<0.000000e+00> : vector<10000x1xf32>
    %dot_general3A_12 = tpu.matmul %dot_general3A_5, %get3A_10, %dot_general3A_11 {dimension_numbers = #tpu.dot_dimension_numbers<[1], [0], [0], [1], [0, 0, 1, 1], [], []>, transpose_lhs_hint = false} : vector<10000x64xf32>, vector<64x1xf32>, vector<10000x1xf32> -> vector<10000x1xf32>
    %swap3A_13 = arith.constant 0 : index
    %swap3A_14 = arith.constant 0 : index
    %swap3A_15 = vector.load %arg8[%swap3A_13, %swap3A_14] : memref<10000x1xf32, #tpu.memory_space<vmem>>, vector<10000x1xf32>
    tpu.vector_store %arg8[%swap3A_13, %swap3A_14], %dot_general3A_12 {strides = array<i32>} : memref<10000x1xf32, #tpu.memory_space<vmem>>, vector<10000x1xf32>,
    %get3A_16 = arith.constant 0 : index
    %get3A_17 = arith.constant 0 : index
    %get3A_18 = vector.load %arg3[%get3A_16, %get3A_17] : memref<64x1xf32, #tpu.memory_space<vmem>>, vector<64x1xf32>
    %dot_general3A_19 = arith.constant dense<0.000000e+00> : vector<10000x1xf32>
    %dot_general3A_20 = tpu.matmul %dot_general3A_5, %get3A_18, %dot_general3A_19 {dimension_numbers = #tpu.dot_dimension_numbers<[1], [0], [0], [1], [0, 0, 1, 1], [], []>, transpose_lhs_hint = false} : vector<10000x64xf32>, vector<64x1xf32>, vector<10000x1xf32> -> vector<10000x1xf32>
    %swap3A_21 = arith.constant 0 : index
    %swap3A_22 = arith.constant 0 : index
    %swap3A_23 = vector.load %arg9[%swap3A_21, %swap3A_22] : memref<10000x1xf32, #tpu.memory_space<vmem>>, vector<10000x1xf32>
    tpu.vector_store %arg9[%swap3A_21, %swap3A_22], %dot_general3A_20 {strides = array<i32>} : memref<10000x1xf32, #tpu.memory_space<vmem>>, vector<10000x1xf32>,
    %get3A_24 = arith.constant 0 : index
    %get3A_25 = arith.constant 0 : index
    %get3A_26 = vector.load %arg4[%get3A_24, %get3A_25] : memref<1x64xf32, #tpu.memory_space<vmem>>, vector<1x64xf32>
    %get3A_27 = arith.constant 0 : index
    %get3A_28 = arith.constant 0 : index
    %get3A_29 = vector.load %arg5[%get3A_27, %get3A_28] : memref<1x64xf32, #tpu.memory_space<vmem>>, vector<1x64xf32>
    %mul3A = arith.mulf %get3A_26, %get3A_29 : vector<1x64xf32>
    %reduce_sum3A = vector.shape_cast %mul3A : vector<1x64xf32> to vector<1x1x64xf32>
    %reduce_sum3A_30 = arith.constant dense<0.000000e+00> : vector<1xf32>
    %reduce_sum3A_31 = vector.multi_reduction <add>, %reduce_sum3A, %reduce_sum3A_30 [1, 2] : vector<1x1x64xf32> to vector<1xf32>
    %reduce_sum3A_32 = vector.shape_cast %reduce_sum3A_31 : vector<1xf32> to vector<1x1x1xf32>
    %reduce_sum3A_33 = vector.extract %reduce_sum3A_32[0, 0, 0] : f32 from vector<1x1x1xf32>
    %get3A_34 = arith.constant 0 : index
    %get3A_35 = arith.constant 0 : index
    %get3A_36 = vector.load %arg6[%get3A_34, %get3A_35] : memref<2500x128xf32, #tpu.memory_space<vmem>>, vector<2500x128xf32>
    %mul3A_37 = vector.broadcast %reduce_sum3A_33 : f32 to vector<2500x128xf32>
    %mul3A_38 = arith.mulf %get3A_36, %mul3A_37 : vector<2500x128xf32>
    %swap3A_39 = arith.constant 0 : index
    %swap3A_40 = arith.constant 0 : index
    %swap3A_41 = vector.load %arg10[%swap3A_39, %swap3A_40] : memref<2500x128xf32, #tpu.memory_space<vmem>>, vector<2500x128xf32>
    tpu.vector_store %arg10[%swap3A_39, %swap3A_40], %mul3A_38 {strides = array<i32>} : memref<2500x128xf32, #tpu.memory_space<vmem>>, vector<2500x128xf32>,
    return
  }
}

module attributes {stable_mosaic.version = 14 : i64} {
  func.func @_post_body(%arg0: memref<10000x64xf32, #tpu.memory_space<vmem>>, %arg1: memref<10000x64xf32, #tpu.memory_space<vmem>>, %arg2: memref<32x10000xf32, #tpu.memory_space<vmem>>, %arg3: memref<32x10000xf32, #tpu.memory_space<vmem>>, %arg4: memref<32x10000xf32, #tpu.memory_space<vmem>>, %arg5: memref<10000x64xf32, #tpu.memory_space<vmem>>, %arg6: memref<10000x1xf32, #tpu.memory_space<vmem>>, %arg7: memref<10000x1xf32, #tpu.memory_space<vmem>>, %arg8: memref<1x64xf32, #tpu.memory_space<vmem>>, %arg9: memref<4x64xf32, #tpu.memory_space<vmem>>, %arg10: memref<4x1xf32, #tpu.memory_space<vmem>>, %arg11: memref<32x1xf32, #tpu.memory_space<vmem>>, %arg12: memref<4x10000xf32, #tpu.memory_space<vmem>>) attributes {dimension_semantics = [], scalar_prefetch = 0 : i64, scratch_operands = 0 : i64, tpu.core_type = #tpu.core_type<tc>} {
    %get3A = arith.constant 0 : index
    %get3A_0 = arith.constant 0 : index
    %get3A_1 = vector.load %arg11[%get3A, %get3A_0] : memref<32x1xf32, #tpu.memory_space<vmem>>, vector<32x1xf32>
    %get3A_2 = arith.constant 0 : index
    %get3A_3 = arith.constant 0 : index
    %get3A_4 = vector.load %arg2[%get3A_2, %get3A_3] : memref<32x10000xf32, #tpu.memory_space<vmem>>, vector<32x10000xf32>
    %dot_general3A = arith.constant dense<0.000000e+00> : vector<10000x1xf32>
    %dot_general3A_5 = tpu.matmul %get3A_4, %get3A_1, %dot_general3A {dimension_numbers = #tpu.dot_dimension_numbers<[0], [0], [1], [1], [0, 1, 1, 1], [], []>, transpose_lhs_hint = false} : vector<32x10000xf32>, vector<32x1xf32>, vector<10000x1xf32> -> vector<10000x1xf32>
    %get3A_6 = arith.constant 0 : index
    %get3A_7 = arith.constant 0 : index
    %get3A_8 = vector.load %arg3[%get3A_6, %get3A_7] : memref<32x10000xf32, #tpu.memory_space<vmem>>, vector<32x10000xf32>
    %dot_general3A_9 = arith.constant dense<0.000000e+00> : vector<10000x1xf32>
    %dot_general3A_10 = tpu.matmul %get3A_8, %get3A_1, %dot_general3A_9 {dimension_numbers = #tpu.dot_dimension_numbers<[0], [0], [1], [1], [0, 1, 1, 1], [], []>, transpose_lhs_hint = false} : vector<32x10000xf32>, vector<32x1xf32>, vector<10000x1xf32> -> vector<10000x1xf32>
    %get3A_11 = arith.constant 0 : index
    %get3A_12 = arith.constant 0 : index
    %get3A_13 = vector.load %arg4[%get3A_11, %get3A_12] : memref<32x10000xf32, #tpu.memory_space<vmem>>, vector<32x10000xf32>
    %dot_general3A_14 = arith.constant dense<0.000000e+00> : vector<10000x1xf32>
    %dot_general3A_15 = tpu.matmul %get3A_13, %get3A_1, %dot_general3A_14 {dimension_numbers = #tpu.dot_dimension_numbers<[0], [0], [1], [1], [0, 1, 1, 1], [], []>, transpose_lhs_hint = false} : vector<32x10000xf32>, vector<32x1xf32>, vector<10000x1xf32> -> vector<10000x1xf32>
    %max3A = arith.constant 1.000000e+00 : f32
    %max3A_16 = vector.broadcast %max3A : f32 to vector<10000x1xf32>
    %max3A_17 = arith.maximumf %dot_general3A_10, %max3A_16 : vector<10000x1xf32>
    %div3A = arith.divf %dot_general3A_15, %max3A_17 : vector<10000x1xf32>
    %get3A_18 = arith.constant 0 : index
    %get3A_19 = arith.constant 0 : index
    %get3A_20 = vector.load %arg6[%get3A_18, %get3A_19] : memref<10000x1xf32, #tpu.memory_space<vmem>>, vector<10000x1xf32>
    %get3A_21 = arith.constant 0 : index
    %get3A_22 = arith.constant 0 : index
    %get3A_23 = vector.load %arg7[%get3A_21, %get3A_22] : memref<10000x1xf32, #tpu.memory_space<vmem>>, vector<10000x1xf32>
    %add3A = arith.addf %get3A_20, %get3A_23 : vector<10000x1xf32>
    %add3A_24 = arith.addf %add3A, %div3A : vector<10000x1xf32>
    %ge3A = arith.constant 0.000000e+00 : f32
    %ge3A_25 = vector.broadcast %ge3A : f32 to vector<10000x1xf32>
    %ge3A_26 = arith.cmpf oge, %add3A_24, %ge3A_25 : vector<10000x1xf32>
    %mul3A = arith.constant 2.000000e-01 : f32
    %mul3A_27 = vector.broadcast %mul3A : f32 to vector<10000x1xf32>
    %mul3A_28 = arith.mulf %mul3A_27, %add3A_24 : vector<10000x1xf32>
    %select_n3A = arith.select %ge3A_26, %add3A_24, %mul3A_28 : vector<10000x1xi1>, vector<10000x1xf32>
    %exp3A = math.exp %select_n3A : vector<10000x1xf32>
    %get3A_29 = arith.constant 0 : index
    %get3A_30 = arith.constant 0 : index
    %get3A_31 = vector.load %arg5[%get3A_29, %get3A_30] : memref<10000x64xf32, #tpu.memory_space<vmem>>, vector<10000x64xf32>
    %get3A_32 = arith.constant 0 : index
    %get3A_33 = arith.constant 0 : index
    %get3A_34 = vector.load %arg0[%get3A_32, %get3A_33] : memref<10000x64xf32, #tpu.memory_space<vmem>>, vector<10000x64xf32>
    %get3A_35 = arith.constant 0 : index
    %get3A_36 = arith.constant 0 : index
    %get3A_37 = vector.load %arg1[%get3A_35, %get3A_36] : memref<10000x64xf32, #tpu.memory_space<vmem>>, vector<10000x64xf32>
    %add3A_38 = arith.addf %get3A_34, %get3A_37 : vector<10000x64xf32>
    %mul3A_39 = vector.broadcast %exp3A : vector<10000x1xf32> to vector<10000x64xf32>
    %mul3A_40 = arith.mulf %mul3A_39, %get3A_31 : vector<10000x64xf32>
    %add3A_41 = arith.addf %add3A_38, %mul3A_40 : vector<10000x64xf32>
    %add3A_42 = arith.addf %dot_general3A_5, %exp3A : vector<10000x1xf32>
    %max3A_43 = arith.constant 1.000000e-16 : f32
    %max3A_44 = vector.broadcast %max3A_43 : f32 to vector<10000x1xf32>
    %max3A_45 = arith.maximumf %add3A_42, %max3A_44 : vector<10000x1xf32>
    %div3A_46 = vector.broadcast %max3A_45 : vector<10000x1xf32> to vector<10000x64xf32>
    %div3A_47 = arith.divf %add3A_41, %div3A_46 : vector<10000x64xf32>
    %get3A_48 = arith.constant 0 : index
    %get3A_49 = arith.constant 0 : index
    %get3A_50 = vector.load %arg8[%get3A_48, %get3A_49] : memref<1x64xf32, #tpu.memory_space<vmem>>, vector<1x64xf32>
    %add3A_51 = vector.broadcast %get3A_50 : vector<1x64xf32> to vector<10000x64xf32>
    %add3A_52 = arith.addf %div3A_47, %add3A_51 : vector<10000x64xf32>
    %get3A_53 = arith.constant 0 : index
    %get3A_54 = arith.constant 0 : index
    %get3A_55 = vector.load %arg9[%get3A_53, %get3A_54] : memref<4x64xf32, #tpu.memory_space<vmem>>, vector<4x64xf32>
    %dot_general3A_56 = arith.constant dense<0.000000e+00> : vector<4x10000xf32>
    %dot_general3A_57 = tpu.matmul %get3A_55, %add3A_52, %dot_general3A_56 {dimension_numbers = #tpu.dot_dimension_numbers<[1], [1], [0], [0], [0, 0, 1, 0], [], []>, transpose_lhs_hint = false} : vector<4x64xf32>, vector<10000x64xf32>, vector<4x10000xf32> -> vector<4x10000xf32>
    %get3A_58 = arith.constant 0 : index
    %get3A_59 = arith.constant 0 : index
    %get3A_60 = vector.load %arg10[%get3A_58, %get3A_59] : memref<4x1xf32, #tpu.memory_space<vmem>>, vector<4x1xf32>
    %add3A_61 = vector.broadcast %get3A_60 : vector<4x1xf32> to vector<4x10000xf32>
    %add3A_62 = arith.addf %dot_general3A_57, %add3A_61 : vector<4x10000xf32>
    %swap3A = arith.constant 0 : index
    %swap3A_63 = arith.constant 0 : index
    %swap3A_64 = vector.load %arg12[%swap3A, %swap3A_63] : memref<4x10000xf32, #tpu.memory_space<vmem>>, vector<4x10000xf32>
    tpu.vector_store %arg12[%swap3A, %swap3A_63], %add3A_62 {strides = array<i32>} : memref<4x10000xf32, #tpu.memory_space<vmem>>, vector<4x10000xf32>,
    return
  }
}

</mosaic_0001>

<sc_bundles>
// kernel: kernel.5.cloned.1.call-start
scs
__scs_entry_jumppad:
0x0: {  	(pc) =	sbr.rel $0x88, $3  }
0x1: {  	(tag) =	ssettag $0x0;
	lr =	simm.s32 $0x1  }
0x2: {  	[smem:$0x3F96] =	sst lr;
	_ =	strace $0xD0000000  }
0x3: {  	_ = 	snop  }
0x4: {  	_ = 	snop  }
0x5: {  	_ = 	snop  }
0x6: {  	_ = 	snop  }
0x7: {  	_ = 	snop  }
__scs_overlays_trampoline_lowered:
0x8: {  	[smem:$0x3FA5] =	sst s0  }
0x9: {  	[smem:$0x3FA6] =	sst s1  }
0xa: {  	[smem:$0x3FA7] =	sst s2  }
0xb: {  	[smem:$0x3FA8] =	sst s3  }
0xc: {  	[smem:$0x3FA9] =	sst s4  }
0xd: {  	[smem:$0x3FAA] =	sst s5  }
0xe: {  	[smem:$0x3FAB] =	sst s6  }
0xf: {  	[smem:$0x3FAC] =	sst s7  }
0x10: {  	[smem:$0x3FAD] =	sst s8  }
0x11: {  	[smem:$0x3FAE] =	sst s9;
	s0 =	simm.s32 @!p0 $0x0  }
0x12: {  	s1 =	sld [smem:$0x3F94];
	s0 =	simm.s32 @p0 $0x1  }
0x13: {  	[smem:$0x3FAF] =	sst s0;
	s0 =	simm.s32 @!p1 $0x0  }
0x14: {  	s2 =	sld [smem:$0x3F93];
	s0 =	simm.s32 @p1 $0x1  }
0x15: {  	[smem:$0x3FB0] =	sst s0;
	s0 =	simm.s32 @!p2 $0x0  }
0x16: {  	s3 =	sld [smem:$0x3FDB];
	s0 =	simm.s32 @p2 $0x1  }
0x17: {  	s4 =	simm.s32 $0x1BF5;
	[smem:$0x3FB2] =	sst s0  }
0x18: {  	s0 =	sld [smem:$0x3F95];
	_ =	swait.ge [sflag:s4], $0x0  }
0x19: {  	s7 =	sld [smem:$0x3F96]  }
0x1a: {  	s8 =	sadd.s32 $0xFFFFE003, lr  }
0x1b: {  	s9 =	sadd.s32 $0xFFFFFEF7, lr;
	s5 =	simm.s32 $0xFFFFFFFF;
	p2 =	slt.u32 s8, $0xFFFFF086  }
0x1c: {  	p1 =	slt.u32 s9, $0xF7A;
	s5 =	simm.s32 @!p2 $0x0  }
0x1d: {  	s5 =	simm.s32 @p1 $0x1;
	p0 =	seq.s32 s7, s2  }
0x1e: {  	s7 =	smul.u32 @!p0 $0xF7A, s2;
	p2 =	seq.s32 @!p0 s5, $0x0  }
0x1f: {  	s9 =	smul.u32 $0xF7A, s1;
	s8 =	simm.s32 @!p0 $0x1BF5;
	p2 =	por !p2, p0  }
0x20: {  	[sflag:s8] =	ssyncset.s32 @!p0 $0xFFFFF086;
	s6 =	sadd.s32 @!p0 s3, s7;
	s7 =	simm.s32 @!p0 $0x108  }
0x21: {  	s3 =	sadd.s32 s3, s9;
	s6 =	sadd.s32 @!p0 $0x88, s6;
	s7 =	simm.s32 @p2 $0x1082  }
0x22: {  	[simem:s7], [sflag:s8] =	dma.local @!p0 [hbm:s6], $0xF7A  }
0x23: {  	s9 =	sor.u32 $0xD0000000, s2;
	s6 =	simm.s32 $0x108;
	_ =	swait.ge @!p0 [sflag:s8], $0x0  }
0x24: {  	s3 =	sadd.s32 $0x88, s3;
	s6 =	simm.s32 @!p1 $0x1082;
	[sflag:s4] =	ssyncset.s32 $0xFFFFF086  }
0x25: {  	[simem:s6], [sflag:s4] =	dma.local [hbm:s3], $0xF7A  }
0x26: {  	[smem:$0x3F96] =	sst s1;
	(tag) =	ssettag s2;
	_ =	strace s9  }
0x27: {  	s1 =	sld [smem:$0x3FA6]  }
0x28: {  	s2 =	sld [smem:$0x3FA7]  }
0x29: {  	s4 =	sld [smem:$0x3FA9]  }
0x2a: {  	p0 =	seq.s32 s5, $0x0;
	s5 =	sld [smem:$0x3FAA]  }
0x2b: {  	s6 =	sld [smem:$0x3FAB]  }
0x2c: {  	s7 =	sld [smem:$0x3FAC]  }
0x2d: {  	s3 =	simm.s32 $0x108;
	s8 =	sld [smem:$0x3FAD]  }
0x2e: {  	s3 =	simm.s32 @!p0 $0x1082;
	s9 =	sld [smem:$0x3FAE]  }
0x2f: {  	lr =	sadd.s32 s0, s3;
	s0 =	sld [smem:$0x3FA5]  }
0x30: {  	s3 =	sld [smem:$0x3FA8]  }
0x31: {  	[smem:$0x3FB1] =	sst s10  }
0x32: {  	s10 =	sld [smem:$0x3FAF];
	_ =	sdelay $0x3  }
0x33: {  	p0 =	seq.s32 s10, $0x1;
	s10 =	sld [smem:$0x3FB1];
	_ =	sdelay $0x3  }
0x34: {  	[smem:$0x3FB1] =	sst s10  }
0x35: {  	s10 =	sld [smem:$0x3FB0];
	_ =	sdelay $0x3  }
0x36: {  	p1 =	seq.s32 s10, $0x1;
	s10 =	sld [smem:$0x3FB1];
	_ =	sdelay $0x3  }
0x37: {  	[smem:$0x3FB1] =	sst s10  }
0x38: {  	s10 =	sld [smem:$0x3FB2]  }
0x39: {  	_ = 	snop;
	(pc) =	sbr.ind lr, $3  }
0x3a: {  	_ = 	snop  }
0x3b: {  	_ = 	snop  }
0x3c: {  	p2 =	seq.s32 s10, $0x1;
	s10 =	sld [smem:$0x3FB1]  }
0x3d: {  	_ =	shalt  }
0x3e: {  	_ =	shalt  }
0x3f: {  	_ =	shalt  }
0x40: {  	_ =	shalt  }
0x41: {  	_ =	shalt  }
0x42: {  	_ =	shalt  }
0x43: {  	_ =	shalt  }
0x44: {  	_ =	shalt  }
0x45: {  	_ =	shalt  }
0x46: {  	_ =	shalt  }
0x47: {  	_ =	shalt  }
0x48: {  	_ =	shalt  }
0x49: {  	_ =	shalt  }
0x4a: {  	_ =	shalt  }
0x4b: {  	_ =	shalt  }
0x4c: {  	_ =	shalt  }
0x4d: {  	_ =	shalt  }
0x4e: {  	_ =	shalt  }
0x4f: {  	_ =	shalt  }
0x50: {  	_ =	shalt  }
0x51: {  	_ =	shalt  }
0x52: {  	_ =	shalt  }
0x53: {  	_ =	shalt  }
0x54: {  	_ =	shalt  }
0x55: {  	_ =	shalt  }
0x56: {  	_ =	shalt  }
0x57: {  	_ =	shalt  }
0x58: {  	_ =	shalt  }
0x59: {  	_ =	shalt  }
0x5a: {  	_ =	shalt  }
0x5b: {  	_ =	shalt  }
0x5c: {  	_ =	shalt  }
0x5d: {  	_ =	shalt  }
0x5e: {  	_ =	shalt  }
0x5f: {  	_ =	shalt  }
0x60: {  	_ =	shalt  }
0x61: {  	_ =	shalt  }
0x62: {  	_ =	shalt  }
0x63: {  	_ =	shalt  }
0x64: {  	_ =	shalt  }
0x65: {  	_ =	shalt  }
0x66: {  	_ =	shalt  }
0x67: {  	_ =	shalt  }
0x68: {  	_ =	shalt  }
0x69: {  	_ =	shalt  }
0x6a: {  	_ =	shalt  }
0x6b: {  	_ =	shalt  }
0x6c: {  	_ =	shalt  }
0x6d: {  	_ =	shalt  }
0x6e: {  	_ =	shalt  }
0x6f: {  	_ =	shalt  }
0x70: {  	_ =	shalt  }
0x71: {  	_ =	shalt  }
0x72: {  	_ =	shalt  }
0x73: {  	_ =	shalt  }
0x74: {  	_ =	shalt  }
0x75: {  	_ =	shalt  }
0x76: {  	_ =	shalt  }
0x77: {  	_ =	shalt  }
0x78: {  	_ =	shalt  }
0x79: {  	_ =	shalt  }
0x7a: {  	_ =	shalt  }
0x7b: {  	_ =	shalt  }
0x7c: {  	_ =	shalt  }
0x7d: {  	_ =	shalt  }
0x7e: {  	_ =	shalt  }
0x7f: {  	_ =	shalt  }
0x80: {  	_ =	shalt  }
0x81: {  	_ =	shalt  }
0x82: {  	_ =	shalt  }
0x83: {  	_ =	shalt  }
0x84: {  	_ =	shalt  }
0x85: {  	_ =	shalt  }
0x86: {  	_ =	shalt  }
0x87: {  	_ =	shalt  }
.Lfunc_end0:
.L_simem_size_0:
called_computation_lowered:
.L_overlay_start_0:
0x88: {  	s2 =	sld [smem:$0x3FD9]  }
0x89: {  	s3 =	sld [smem:$0x3FFE];
	_ =	sdelay $0x1  }
0x8a: {  	s1 =	srdreg.scid  }
0x8b: {  	s0 =	sand.u32 $0x1, s1  }
0x8c: {  	s17 =	sshll.u32 s0, $0xA;
	s2 =	sadd.s32 s3, s2  }
0x8d: {  	s2 =	sadd.s32 s2, s17  }
0x8e: {  	[smem:$0x3FBD] =	sst s2  }
0x8f: {  	_ = 	snop  }
0x90: {  	s2 =	sld [smem:$0x3FD0];
	(tm) =	ssettm $0x1  }
0x91: {  	s18 =	sld [smem:$0x3FFB];
	_ =	sdelay $0x3  }
0x92: {  	_ =	strace s18  }
0x93: {  	s3 =	sld [smem:$0x3FFC];
	_ =	sdelay $0x3  }
0x94: {  	_ =	strace s3  }
0x95: {  	s3 =	sld [smem:$0x3FFD];
	_ =	sdelay $0x3  }
0x96: {  	_ =	strace s3  }
0x97: {  	_ =	strace $0x8FFFFFFF  }
0x98: {  	s19 =	sld [smem:$0x3FDB];
	_ =	sdelay $0x1  }
0x99: {  	s4 =	simm.s32 $_scs_section_size  }
0x9a: {  	s5 =	simm.s32 $_size__tile_overlayer_lowered;
	s6 =	simm.s32 $_tile_overlayer_lowered  }
0x9b: {  	s22 =	simm.s32 $0x1BFF;
	s21 =	sshll.u32 s6, $0x1;
	s3 =	sadd.s32 s4, s19  }
0x9c: {  	s7 =	simm.s32 $0x0;
	s20 =	sshll.u32 s5, $0x1;
	s5 =	sadd.s32 s21, s3  }
0x9d: {  	[timem:s7], [sflag:s22] =	dma.local [hbm:s5], s20  }
0x9e: {  	_ =	swait.ge [sflag:s22], s20  }
0x9f: {  	s4 =	ssub.s32 $0x0, s20;
	[sflag:s22] =	ssyncset.done $0x0  }
0xa0: {  	[sflag:s22] =	ssyncadd.s32 s4;
	_ =	sdelay $0x1  }
0xa1: {  	s23 =	simm.s32 $0x1B8B  }
0xa2: {  	_ =	swait.ge [sflag:s23], $0x1  }
0xa3: {  	[sflag:s23] =	ssyncset.done $0x0  }
0xa4: {  	s25 =	simm.s32 $0x1B8E;
	s24 =	sld [smem:$0x3FFE];
	[sflag:s23] =	ssyncadd.s32 $0xFFFFFFFF  }
0xa5: {  	s26 =	simm.s32 $execute0_lowered;
	[smem:$0x3FD2] =	sst s25  }
0xa6: {  	s5 =	sshll.u32 s26, $0x1;
	_ =	strace $0x80000046;
	[dreg:$0x1] =	wrdreg $0xFFFFFFFF  }
0xa7: {  	s28 =	simm.s32 $_size_execute0_lowered;
	s3 =	sadd.s32 s3, s5;
	[dreg:$0x0] =	wrdreg $0x0  }
0xa8: {  	s5 =	sshll.u32 s28, $0x1;
	[dreg:$0x2] =	wrdreg s3  }
0xa9: {  	[dreg:$0x3] =	wrdreg s5  }
0xaa: {  	[dreg:$0x4] =	wrdreg $0xC0  }
0xab: {  	_ =	task [dreg:s7], $0x5FFFF  }
0xac: {  	[dreg:$0x1] =	wrdreg $0xFFFFFFFF  }
0xad: {  	[dreg:$0x0] =	wrdreg $0x60  }
0xae: {  	[dreg:$0x2] =	wrdreg s24  }
0xaf: {  	[dreg:$0x3] =	wrdreg s2  }
0xb0: {  	[dreg:$0x4] =	wrdreg $0x13B500  }
0xb1: {  	[dreg:$0x5] =	wrdreg $0x9  }
0xb2: {  	_ =	task.clear_ibuf [dreg:s7], $0x6FFFF;
	_ =	strace $0x90000046  }
0xb3: {  	s29 =	simm.s32 $0x9;
	_ =	strace $0x80000048  }
0xb4: {  	_ =	swait.ge [sflag:s29], $0x1  }
0xb5: {  	[sflag:s29] =	ssyncadd.s32 $0xFFFFFFFF  }
0xb6: {  	_ =	strace $0x90000048  }
0xb7: {  	_ =	sfence  }
0xb8: {  	s30 =	sld [smem:$0x0];
	_ =	sdelay $0x2  }
0xb9: {  	s31 =	sshll.u32 s1, $0xD;
	s1 =	sshrl.u32 s1, $0x2  }
0xba: {  	s3 =	sand.u32 $0x4000, s31;
	s1 =	sadd.s32 s1, s30  }
0xbb: {  	s0 =	sor.u32 s3, s0;
	s1 =	sshll.u32 s1, $0x11  }
0xbc: {  	s0 =	sor.u32 s1, s0  }
0xbd: {  	s0 =	sadd.s32 $0x8F2B, s0  }
0xbe: {  	[sflag:s0] =	ssyncadd.remote.s32 $0x1  }
0xbf: {  	_ =	sfence.sel $0xFFFF  }
0xc0: {  	[dreg:$0x0] =	wrdreg $0xFFFFFFFF;
	(pc) =	sbr.abs _section_cstart, $3  }
0xc1: {  	[dreg:$0x1] =	wrdreg $0xFFFFFFFF  }
0xc2: {  	_ =	task.clear_ibuf [dreg:s7], $0x2FFFF;
	_ =	strace $0x9FFFFFFF  }
0xc3: {  	(tm) =	ssettm $0x7FFFFFFF  }
tec
execute0_lowered:
.L_overlay_start_1:
0x0: {  	(tag) =	ssettag $0x1  }
0x1: {  	s0 =	srdreg.scid  }
0x2: {  	s13 =	stileid.u32;
	s1 =	rddreg [dreg:$0x0]  }
0x3: {  	s3 =	rddreg [dreg:$0x2];
	s9 =	smul.u32 $0xA000, s13  }
0x4: {  	s4 =	simm.s32 $0x0;
	s30 =	simm.s32 $0x7;
	s26 =	smul.u32 $0x28000, s13  }
0x5: {  	s0 =	sand.u32 $0x1, s0;
	s2 =	sshll.u32 s13, $0x1;
	s13 =	smul.u32 $0x4E20, s13  }
0x6: {  	s31 =	simm.s32 $0x11350;
	[smem:$0x7FF] =	sst s4;
	s6 =	smul.u32 $0xA0000, s0  }
0x7: {  	s2 =	sor.u32 s0, s2;
	s11 =	ssub.s32 $0x2, s0;
	s0 =	smul.u32 $0x2710, s0  }
0x8: {  	s7 =	sadd.s32 $0x6C800, s1;
	_ =	strace $0x80000047;
	s5 =	smul.u32 $0x2710, s2  }
0x9: {  	[dreg:$0x4] =	wrdreg s7;
	s7 =	sadd.s32 $0x6CE00, s1;
	s2 =	smul.u32 $0x500, s2  }
0xa: {  	s12 =	sshrl.u32 s11, $0x1;
	s17 =	sshrl.u32 s26, $0x2;
	s18 =	sadd.s32 s9, s3  }
0xb: {  	s6 =	sadd.s32 s9, s6;
	s24 =	ssub.s32 s11, s12;
	s17 =	sadd.s32 s17, s3  }
0xc: {  	s0 =	sadd.s32 s0, s13;
	s9 =	simm.s32 $0x12750;
	s11 =	simm.s32 $0x3  }
0xd: {  	s13 =	simm.s32 $0x11210;
	s8 =	sshrl.u32 s5, $0x3;
	s5 =	sadd.s32 $0x14600, s1  }
0xe: {  	s6 =	sshrl.u32 s6, $0x3;
	s19 =	smax.u32 s24, $0x1;
	s20 =	sadd.s32 $0x1400, s17  }
0xf: {  	s21 =	sadd.s32 $0xF0, s0;
	s22 =	sadd.s32 $0x2800, s17;
	[dreg:$0xd] =	wrdreg s19  }
0x10: {  	s23 =	sadd.s32 $0x3C00, s17;
	s24 =	sadd.s32 $0x5000, s17;
	[dreg:$0xe] =	wrdreg s20  }
0x11: {  	s26 =	sadd.s32 $0x6400, s17;
	s29 =	sadd.s32 $0x8C00, s17;
	[dreg:$0xf] =	wrdreg s22  }
0x12: {  	s10 =	sadd.s32 s8, s1;
	s6 =	sadd.s32 s6, s1;
	[dreg:$0x10] =	wrdreg s23  }
0x13: {  	s1 =	sadd.s32 s2, s1;
	[dreg:$0x11] =	wrdreg s24;
	s23 =	sadd.s32 $0xA0, s0  }
0x14: {  	[dreg:$0x13] =	wrdreg s26;
	s2 =	simm.s32 $0x50;
	s25 =	sadd.s32 $0xA800, s10  }
0x15: {  	s0 =	simm.s32 $0x11170;
	s10 =	sadd.s32 $0xA00, s10;
	[dreg:$0x5] =	wrdreg s25  }
0x16: {  	s19 =	simm.s32 $0x6;
	s14 =	sadd.s32 $0x80800, s1;
	[dreg:$0x6] =	wrdreg s10  }
0x17: {  	s20 =	simm.s32 $0x0;
	s15 =	sadd.s32 $0x8A800, s1;
	[dreg:$0x9] =	wrdreg s14  }
0x18: {  	s1 =	sadd.s32 $0x94800, s1;
	s16 =	sadd.s32 $0x9E800, s6;
	[dreg:$0xa] =	wrdreg s15  }
0x19: {  	s6 =	simm.s32 $0x11300;
	s10 =	sadd.s32 s5, s8;
	[dreg:$0xb] =	wrdreg s1  }
0x1a: {  	[dreg:$0xc] =	wrdreg s16;
	s1 =	sshrl.u32 s21, $0x3;
	s25 =	sshrl.u32 s18, $0x3  }
0x1b: {  	s8 =	simm.s32 $0x111C0;
	s14 =	simm.s32 $0x5;
	s15 =	simm.s32 $0x4  }
0x1c: {  	s16 =	simm.s32 $0x2;
	s28 =	sadd.s32 $0xA, s10;
	[dreg:$0x12] =	wrdreg s25  }
0x1d: {  	s18 =	simm.s32 $0x11260;
	s12 =	sadd.s32 $0x4D8, s10;
	[dreg:$0x7] =	wrdreg s28  }
0x1e: {  	s24 =	sadd.s32 s1, s5;
	[dreg:$0x8] =	wrdreg s12;
	s28 =	sadd.s32 $0x7800, s17  }
0x1f: {  	v0 =	vimm.f32 $0.0e+00;
	s1 =	simm.s32 $0x112B0;
	s12 =	simm.s32 $0x1;
	[dreg:$0x14] =	wrdreg s28  }
.LBB2_1:
0x20: {  	s21 =	rddreg [dreg:$0x1]  }
0x21: {  	[tilespmem:s4], [sflag:$0x7] =	stream.linear.gather [hbm4b:s21+s4], $0x2710, $0x38;
	[tilespmem:$0x1DB50] =	vst v63  }
0x22: {  	_ =	swait.ge [sflag:s30], $0x2710  }
0x23: {  	[sflag:s30] =	ssyncset.done $0x0  }
0x24: {  	s22 =	simm.s32 $0x2710;
	s28 =	rddreg [dreg:$0x4];
	[sflag:s30] =	ssyncadd.s32 $0xFFFFD8F0  }
0x25: {  	[tilespmem:s22], [sflag:$0x7] =	stream.linear.gather [hbm4b:s28+s4], $0x2710, $0x38;
	[tilespmem:$0x1DB50] =	vst v63  }
0x26: {  	_ =	swait.ge [sflag:s30], $0x2710  }
0x27: {  	[sflag:s30] =	ssyncset.done $0x0  }
0x28: {  	s25 =	simm.s32 $0xC350;
	s22 =	rddreg [dreg:$0x5];
	[sflag:s30] =	ssyncadd.s32 $0xFFFFD8F0  }
0x29: {  	[tilespmem:s25], [sflag:$0x7] =	stream.linear.gather [hbm4b:s22+s4], $0x2710, $0x38;
	[tilespmem:$0x1DB50] =	vst v63  }
0x2a: {  	_ =	swait.ge [sflag:s30], $0x2710  }
0x2b: {  	[sflag:s30] =	ssyncset.done $0x0  }
0x2c: {  	s28 =	simm.s32 $0xEA60;
	s26 =	rddreg [dreg:$0x6];
	[sflag:s30] =	ssyncadd.s32 $0xFFFFD8F0  }
0x2d: {  	[tilespmem:s28], [sflag:$0x7] =	stream.linear.gather [hbm4b:s26+s4], $0x2710, $0x38;
	[tilespmem:$0x1DB50] =	vst v63  }
0x2e: {  	_ =	swait.ge [sflag:s30], $0x2710  }
0x2f: {  	[sflag:s30] =	ssyncset.done $0x0  }
0x30: {  	s21 =	simm.s32 $0x0;
	[sflag:s30] =	ssyncadd.s32 $0xFFFFD8F0  }
.LBB2_2:
0x31: {  	p0 =	sne.s32 s21, $0x9C00  }
.Ltmp0:
0x32: {  	_ = 	snop;
	(pc) =	sbr.rel @p0 .LBB2_2-.Ltmp0, $4  }
0x33: {  	s22 =	sshra.s32 s21, $0x2  }
0x34: {  	[tilespmem:s22+$0x4E20] =	vst v0  }
0x35: {  	[tilespmem:s22+$0x7530] =	vst v0  }
0x36: {  	s21 =	sadd.s32 $0x40, s21;
	[tilespmem:s22+$0x9C40] =	vst v0  }
0x37: {  	s22 =	simm.s32 $0x100;
	s21 =	simm.s32 $0x0  }
.LBB2_4:
0x38: {  	p0 =	sne.s32 s22, $0x4F00;
	[tilespmem:s21+$0x11380] =	vst v0;
	s25 =	smov.u32 s22;
	s22 =	sadd.s32 $0x100, s22  }
.Ltmp1:
0x39: {  	[tilespmem:s21+$0x11370] =	vst v0;
	(pc) =	sbr.rel @p0 .LBB2_4-.Ltmp1, $3  }
0x3a: {  	[tilespmem:s21+$0x11350] =	vst v0  }
0x3b: {  	[tilespmem:s21+$0x11360] =	vst v0;
	_ =	sdelay $0x1  }
0x3c: {  	s21 =	sshra.s32 s25, $0x2  }
0x3d: {  	[tilespmem:s21+$0x11380] =	vst v0  }
0x3e: {  	[tilespmem:s21+$0x11370] =	vst v0  }
0x3f: {  	[tilespmem:s21+$0x11350] =	vst v0  }
0x40: {  	[tilespmem:s21+$0x11360] =	vst v0  }
0x41: {  	[spmem:s17] =	stream.linear.scatter [tilespmem:s31], [sflag:$0x7], $0x1400, $0x38;
	[tilespmem:$0x1DB50] =	vst v63  }
0x42: {  	_ =	swait.ge [sflag:s30], $0x1400  }
0x43: {  	[sflag:s30] =	ssyncset.done $0x0  }
0x44: {  	s22 =	rddreg [dreg:$0xe];
	[sflag:s30] =	ssyncadd.s32 $0xFFFFEC00  }
0x45: {  	[spmem:s22] =	stream.linear.scatter [tilespmem:s31], [sflag:$0x7], $0x1400, $0x38;
	[tilespmem:$0x1DB50] =	vst v63  }
0x46: {  	_ =	swait.ge [sflag:s30], $0x1400  }
0x47: {  	[sflag:s30] =	ssyncset.done $0x0  }
0x48: {  	s25 =	rddreg [dreg:$0xf];
	[sflag:s30] =	ssyncadd.s32 $0xFFFFEC00  }
0x49: {  	[spmem:s25] =	stream.linear.scatter [tilespmem:s31], [sflag:$0x7], $0x1400, $0x38;
	[tilespmem:$0x1DB50] =	vst v63  }
0x4a: {  	_ =	swait.ge [sflag:s30], $0x1400  }
0x4b: {  	[sflag:s30] =	ssyncset.done $0x0  }
0x4c: {  	s26 =	rddreg [dreg:$0x10];
	[sflag:s30] =	ssyncadd.s32 $0xFFFFEC00  }
0x4d: {  	[spmem:s26] =	stream.linear.scatter [tilespmem:s31], [sflag:$0x7], $0x1400, $0x38;
	[tilespmem:$0x1DB50] =	vst v63  }
0x4e: {  	_ =	swait.ge [sflag:s30], $0x1400  }
0x4f: {  	[sflag:s30] =	ssyncset.done $0x0  }
0x50: {  	s28 =	rddreg [dreg:$0x11];
	[sflag:s30] =	ssyncadd.s32 $0xFFFFEC00  }
0x51: {  	[spmem:s28] =	stream.linear.scatter [tilespmem:s31], [sflag:$0x7], $0x1400, $0x38;
	[tilespmem:$0x1DB50] =	vst v63  }
0x52: {  	_ =	swait.ge [sflag:s30], $0x1400  }
0x53: {  	[sflag:s30] =	ssyncset.done $0x0  }
0x54: {  	s22 =	rddreg [dreg:$0x13];
	[sflag:s30] =	ssyncadd.s32 $0xFFFFEC00  }
0x55: {  	[spmem:s22] =	stream.linear.scatter [tilespmem:s31], [sflag:$0x7], $0x1400, $0x38;
	[tilespmem:$0x1DB50] =	vst v63  }
0x56: {  	_ =	swait.ge [sflag:s30], $0x1400  }
0x57: {  	[sflag:s30] =	ssyncset.done $0x0  }
0x58: {  	s25 =	rddreg [dreg:$0x14];
	[sflag:s30] =	ssyncadd.s32 $0xFFFFEC00  }
0x59: {  	[spmem:s25] =	stream.linear.scatter [tilespmem:s31], [sflag:$0x7], $0x1400, $0x38;
	[tilespmem:$0x1DB50] =	vst v63  }
0x5a: {  	_ =	swait.ge [sflag:s30], $0x1400  }
0x5b: {  	[sflag:s30] =	ssyncset.done $0x0  }
0x5c: {  	[sflag:s30] =	ssyncadd.s32 $0xFFFFEC00  }
0x5d: {  	[spmem:s29] =	stream.linear.scatter [tilespmem:s31], [sflag:$0x7], $0x1400, $0x38;
	[tilespmem:$0x1DB50] =	vst v63  }
0x5e: {  	_ =	swait.ge [sflag:s30], $0x1400  }
0x5f: {  	[sflag:s30] =	ssyncset.done $0x0  }
0x60: {  	[sflag:s30] =	ssyncadd.s32 $0xFFFFEC00  }
0x61: {  	[bflag:$0x0] =	sbarrier.arrive $0xFFFF  }
0x62: {  	[tilespmem:s1], [sflag:$0x3] =	stream.linear.gather [hbm4b:s10+s4], $0x50, $0x38;
	[tilespmem:$0x1DB50] =	vst v63  }
0x63: {  	v1 =	vld [tilespmem:$0xC350]  }
0x64: {  	v2 =	vld [tilespmem:$0xEA60]  }
0x65: {  	v3 =	vld [tilespmem:$0xC360]  }
0x66: {  	v4 =	vld [tilespmem:$0xEA70]  }
0x67: {  	v5 =	vld [tilespmem:$0xC370]  }
0x68: {  	v58 =	vld [tilespmem:$0xC390];
	[tilespmem:$0x11170] =	vst v1  }
0x69: {  	v59 =	vld [tilespmem:$0xEAA0];
	[tilespmem:$0x11210] =	vst v2  }
0x6a: {  	v1 =	vld [tilespmem:$0xEA80];
	[tilespmem:$0x11180] =	vst v3  }
0x6b: {  	v2 =	vld [tilespmem:$0xC380];
	[tilespmem:$0x11220] =	vst v4  }
0x6c: {  	v3 =	vld [tilespmem:$0xEA90];
	[tilespmem:$0x11190] =	vst v5  }
0x6d: {  	[tilespmem:$0x111B0] =	vst v58  }
0x6e: {  	[tilespmem:$0x11250] =	vst v59  }
0x6f: {  	[tilespmem:$0x11230] =	vst v1  }
0x70: {  	[tilespmem:$0x111A0] =	vst v2  }
0x71: {  	[tilespmem:$0x11240] =	vst v3  }
0x72: {  	[tilespmem:s31], [sflag:$0x1] =	stream.indirect.gather [hbm4b:s7+s2], $0x40, s0, s2, $0xb8;
	[tilespmem:$0x1DB50] =	vst v63  }
0x73: {  	s26 =	rddreg [dreg:$0x7]  }
0x74: {  	[tilespmem:s6], [sflag:$0x4] =	stream.linear.gather [hbm4b:s26+s4], $0x50, $0x38;
	[tilespmem:$0x1DB50] =	vst v63  }
0x75: {  	v1 =	vld [tilespmem:$0xC3A0]  }
0x76: {  	v2 =	vld [tilespmem:$0xEAB0]  }
0x77: {  	v3 =	vld [tilespmem:$0xC3B0]  }
0x78: {  	v60 =	vld [tilespmem:$0xEAC0]  }
0x79: {  	v61 =	vld [tilespmem:$0xC3C0]  }
0x7a: {  	v62 =	vld [tilespmem:$0xC3E0];
	[tilespmem:$0x111C0] =	vst v1  }
0x7b: {  	v63 =	vld [tilespmem:$0xEAF0];
	[tilespmem:$0x11260] =	vst v2  }
0x7c: {  	v1 =	vld [tilespmem:$0xEAD0];
	[tilespmem:$0x111D0] =	vst v3  }
0x7d: {  	v2 =	vld [tilespmem:$0xC3D0];
	[tilespmem:$0x11270] =	vst v60  }
0x7e: {  	v3 =	vld [tilespmem:$0xEAE0];
	[tilespmem:$0x111E0] =	vst v61  }
0x7f: {  	[tilespmem:$0x11200] =	vst v62  }
0x80: {  	[tilespmem:$0x112A0] =	vst v63  }
0x81: {  	[tilespmem:$0x11280] =	vst v1  }
0x82: {  	[tilespmem:$0x111F0] =	vst v2  }
0x83: {  	[tilespmem:$0x11290] =	vst v3  }
0x84: {  	[tilespmem:s9], [sflag:$0x2] =	stream.indirect.gather [hbm4b:s7+s2], $0x40, s8, s2, $0xb8;
	[tilespmem:$0x1DB50] =	vst v63  }
0x85: {  	_ =	swait.ge [sflag:s11], $0x50  }
0x86: {  	[sflag:s11] =	ssyncset.done $0x0  }
0x87: {  	[sflag:s11] =	ssyncadd.s32 $0xFFFFFFB0  }
0x88: {  	_ =	swait.ge [sflag:s12], $0x1400  }
0x89: {  	[sflag:s12] =	ssyncset.done $0x0  }
0x8a: {  	[sflag:s12] =	ssyncadd.s32 $0xFFFFEC00  }
0x8b: {  	[spmem:s3] =	stream.indirect.scatter.add.f32 [tilespmem:s31], [sflag:$0x5], $0x40, s13, s2, $0xb8;
	[tilespmem:$0x1DB50] =	vst v63  }
0x8c: {  	_ =	swait.ge [sflag:s14], $0x1400  }
0x8d: {  	s28 =	sshrl.u32 s23, $0x3;
	[sflag:s14] =	ssyncset.done $0x0  }
0x8e: {  	s21 =	sadd.s32 s5, s28;
	s22 =	simm.s32 $0x130;
	[sflag:s14] =	ssyncadd.s32 $0xFFFFEC00  }
0x8f: {  	[tilespmem:s1], [sflag:$0x3] =	stream.linear.gather [hbm4b:s21+s4], $0x50, $0x38;
	[tilespmem:$0x1DB50] =	vst v63  }
0x90: {  	v1 =	vld [tilespmem:s22+$0xC2C0];
	_ =	sdelay $0x4  }
0x91: {  	[tilespmem:$0x11170] =	vst v1  }
0x92: {  	v1 =	vld [tilespmem:s22+$0xE9D0];
	_ =	sdelay $0x4  }
0x93: {  	[tilespmem:$0x11210] =	vst v1  }
0x94: {  	v1 =	vld [tilespmem:s22+$0xC2D0];
	_ =	sdelay $0x4  }
0x95: {  	[tilespmem:$0x11180] =	vst v1  }
0x96: {  	v1 =	vld [tilespmem:s22+$0xE9E0];
	_ =	sdelay $0x4  }
0x97: {  	[tilespmem:$0x11220] =	vst v1  }
0x98: {  	v1 =	vld [tilespmem:s22+$0xC2E0];
	_ =	sdelay $0x4  }
0x99: {  	[tilespmem:$0x11190] =	vst v1  }
0x9a: {  	v1 =	vld [tilespmem:s22+$0xE9F0];
	_ =	sdelay $0x4  }
0x9b: {  	[tilespmem:$0x11230] =	vst v1  }
0x9c: {  	v1 =	vld [tilespmem:s22+$0xC2F0];
	_ =	sdelay $0x4  }
0x9d: {  	[tilespmem:$0x111A0] =	vst v1  }
0x9e: {  	v1 =	vld [tilespmem:s22+$0xEA00];
	_ =	sdelay $0x4  }
0x9f: {  	[tilespmem:$0x11240] =	vst v1  }
0xa0: {  	v1 =	vld [tilespmem:s22+$0xC300];
	_ =	sdelay $0x4  }
0xa1: {  	[tilespmem:$0x111B0] =	vst v1  }
0xa2: {  	v1 =	vld [tilespmem:s22+$0xEA10];
	_ =	sdelay $0x4  }
0xa3: {  	[tilespmem:$0x11250] =	vst v1  }
0xa4: {  	[tilespmem:s31], [sflag:$0x1] =	stream.indirect.gather [hbm4b:s7+s2], $0x40, s0, s2, $0xb8;
	[tilespmem:$0x1DB50] =	vst v63  }
0xa5: {  	_ =	swait.ge [sflag:s15], $0x50  }
0xa6: {  	[sflag:s15] =	ssyncset.done $0x0  }
0xa7: {  	[sflag:s15] =	ssyncadd.s32 $0xFFFFFFB0  }
0xa8: {  	_ =	swait.ge [sflag:s16], $0x1400  }
0xa9: {  	[sflag:s16] =	ssyncset.done $0x0  }
0xaa: {  	[sflag:s16] =	ssyncadd.s32 $0xFFFFEC00  }
0xab: {  	[spmem:s3] =	stream.indirect.scatter.add.f32 [tilespmem:s9], [sflag:$0x6], $0x40, s18, s2, $0xb8;
	[tilespmem:$0x1DB50] =	vst v63  }
0xac: {  	_ =	swait.ge [sflag:s19], $0x1400  }
0xad: {  	[sflag:s19] =	ssyncset.done $0x0  }
0xae: {  	[sflag:s19] =	ssyncadd.s32 $0xFFFFEC00  }
0xaf: {  	[tilespmem:s6], [sflag:$0x4] =	stream.linear.gather [hbm4b:s24+s4], $0x50, $0x38;
	[tilespmem:$0x1DB50] =	vst v63  }
0xb0: {  	v1 =	vld [tilespmem:s22+$0xC310];
	_ =	sdelay $0x4  }
0xb1: {  	[tilespmem:$0x111C0] =	vst v1  }
0xb2: {  	v1 =	vld [tilespmem:s22+$0xEA20];
	_ =	sdelay $0x4  }
0xb3: {  	[tilespmem:$0x11260] =	vst v1  }
0xb4: {  	v1 =	vld [tilespmem:s22+$0xC320];
	_ =	sdelay $0x4  }
0xb5: {  	[tilespmem:$0x111D0] =	vst v1  }
0xb6: {  	v1 =	vld [tilespmem:s22+$0xEA30];
	_ =	sdelay $0x4  }
0xb7: {  	[tilespmem:$0x11270] =	vst v1  }
0xb8: {  	v1 =	vld [tilespmem:s22+$0xC330];
	_ =	sdelay $0x4  }
0xb9: {  	[tilespmem:$0x111E0] =	vst v1  }
0xba: {  	v1 =	vld [tilespmem:s22+$0xEA40];
	_ =	sdelay $0x4  }
0xbb: {  	[tilespmem:$0x11280] =	vst v1  }
0xbc: {  	v1 =	vld [tilespmem:s22+$0xC340];
	_ =	sdelay $0x4  }
0xbd: {  	[tilespmem:$0x111F0] =	vst v1  }
0xbe: {  	v1 =	vld [tilespmem:s22+$0xEA50];
	_ =	sdelay $0x4  }
0xbf: {  	[tilespmem:$0x11290] =	vst v1  }
0xc0: {  	v1 =	vld [tilespmem:s22+$0xC350];
	_ =	sdelay $0x4  }
0xc1: {  	[tilespmem:$0x11200] =	vst v1  }
0xc2: {  	v1 =	vld [tilespmem:s22+$0xEA60];
	_ =	sdelay $0x4  }
0xc3: {  	[tilespmem:$0x112A0] =	vst v1  }
0xc4: {  	[tilespmem:s9], [sflag:$0x2] =	stream.indirect.gather [hbm4b:s7+s2], $0x40, s8, s2, $0xb8;
	[tilespmem:$0x1DB50] =	vst v63  }
0xc5: {  	_ =	swait.ge [sflag:s11], $0x50  }
0xc6: {  	[sflag:s11] =	ssyncset.done $0x0  }
0xc7: {  	[sflag:s11] =	ssyncadd.s32 $0xFFFFFFB0  }
0xc8: {  	_ =	swait.ge [sflag:s12], $0x1400  }
0xc9: {  	s25 =	sadd.s32 $0x14, s24;
	[sflag:s12] =	ssyncset.done $0x0  }
0xca: {  	s21 =	simm.s32 $0x740;
	s22 =	sadd.s32 $0xA0, s23;
	[sflag:s12] =	ssyncadd.s32 $0xFFFFEC00  }
.LBB2_6:
0xcb: {  	[spmem:s3] =	stream.indirect.scatter.add.f32 [tilespmem:s31], [sflag:$0x5], $0x40, s13, s2, $0xb8;
	[tilespmem:$0x1DB50] =	vst v63  }
0xcc: {  	s26 =	smov.u32 s21  }
0xcd: {  	p0 =	sne.s32 s21, $0x9AC0;
	s21 =	sadd.s32 $0x280, s21;
	_ =	swait.ge [sflag:s14], $0x1400  }
0xce: {  	s28 =	sshrl.u32 s22, $0x3;
	[sflag:s14] =	ssyncset.done $0x0  }
0xcf: {  	s28 =	sadd.s32 s5, s28;
	s26 =	sshra.s32 s26, $0x2;
	[sflag:s14] =	ssyncadd.s32 $0xFFFFEC00  }
0xd0: {  	[tilespmem:s1], [sflag:$0x3] =	stream.linear.gather [hbm4b:s28+s4], $0x50, $0x38;
	[tilespmem:$0x1DB50] =	vst v63  }
0xd1: {  	v1 =	vld [tilespmem:s26+$0xC2C0];
	_ =	sdelay $0x4  }
0xd2: {  	[tilespmem:$0x11170] =	vst v1  }
0xd3: {  	v1 =	vld [tilespmem:s26+$0xE9D0];
	_ =	sdelay $0x4  }
0xd4: {  	[tilespmem:$0x11210] =	vst v1  }
0xd5: {  	v1 =	vld [tilespmem:s26+$0xC2D0];
	_ =	sdelay $0x4  }
0xd6: {  	[tilespmem:$0x11180] =	vst v1  }
0xd7: {  	v1 =	vld [tilespmem:s26+$0xE9E0];
	_ =	sdelay $0x4  }
0xd8: {  	[tilespmem:$0x11220] =	vst v1  }
0xd9: {  	v1 =	vld [tilespmem:s26+$0xC2E0];
	_ =	sdelay $0x4  }
0xda: {  	[tilespmem:$0x11190] =	vst v1  }
0xdb: {  	v1 =	vld [tilespmem:s26+$0xE9F0];
	_ =	sdelay $0x4  }
0xdc: {  	[tilespmem:$0x11230] =	vst v1  }
0xdd: {  	v1 =	vld [tilespmem:s26+$0xC2F0];
	_ =	sdelay $0x4  }
0xde: {  	[tilespmem:$0x111A0] =	vst v1  }
0xdf: {  	v1 =	vld [tilespmem:s26+$0xEA00];
	_ =	sdelay $0x4  }
0xe0: {  	[tilespmem:$0x11240] =	vst v1  }
0xe1: {  	v1 =	vld [tilespmem:s26+$0xC300];
	_ =	sdelay $0x4  }
0xe2: {  	[tilespmem:$0x111B0] =	vst v1  }
0xe3: {  	v1 =	vld [tilespmem:s26+$0xEA10];
	_ =	sdelay $0x4  }
0xe4: {  	[tilespmem:$0x11250] =	vst v1  }
0xe5: {  	[tilespmem:s31], [sflag:$0x1] =	stream.indirect.gather [hbm4b:s7+s2], $0x40, s0, s2, $0xb8;
	[tilespmem:$0x1DB50] =	vst v63  }
0xe6: {  	_ =	swait.ge [sflag:s15], $0x50  }
0xe7: {  	[sflag:s15] =	ssyncset.done $0x0  }
0xe8: {  	[sflag:s15] =	ssyncadd.s32 $0xFFFFFFB0  }
0xe9: {  	_ =	swait.ge [sflag:s16], $0x1400  }
0xea: {  	[sflag:s16] =	ssyncset.done $0x0  }
0xeb: {  	[sflag:s16] =	ssyncadd.s32 $0xFFFFEC00  }
0xec: {  	[spmem:s3] =	stream.indirect.scatter.add.f32 [tilespmem:s9], [sflag:$0x6], $0x40, s18, s2, $0xb8;
	[tilespmem:$0x1DB50] =	vst v63  }
0xed: {  	_ =	swait.ge [sflag:s19], $0x1400  }
0xee: {  	[sflag:s19] =	ssyncset.done $0x0  }
0xef: {  	[sflag:s19] =	ssyncadd.s32 $0xFFFFEC00  }
0xf0: {  	[tilespmem:s6], [sflag:$0x4] =	stream.linear.gather [hbm4b:s25+s4], $0x50, $0x38;
	[tilespmem:$0x1DB50] =	vst v63  }
0xf1: {  	v1 =	vld [tilespmem:s26+$0xC310];
	_ =	sdelay $0x4  }
0xf2: {  	[tilespmem:$0x111C0] =	vst v1  }
0xf3: {  	v1 =	vld [tilespmem:s26+$0xEA20];
	_ =	sdelay $0x4  }
0xf4: {  	[tilespmem:$0x11260] =	vst v1  }
0xf5: {  	v1 =	vld [tilespmem:s26+$0xC320];
	_ =	sdelay $0x4  }
0xf6: {  	[tilespmem:$0x111D0] =	vst v1  }
0xf7: {  	v1 =	vld [tilespmem:s26+$0xEA30];
	_ =	sdelay $0x4  }
0xf8: {  	[tilespmem:$0x11270] =	vst v1  }
0xf9: {  	v1 =	vld [tilespmem:s26+$0xC330];
	_ =	sdelay $0x4  }
0xfa: {  	[tilespmem:$0x111E0] =	vst v1  }
0xfb: {  	v1 =	vld [tilespmem:s26+$0xEA40];
	_ =	sdelay $0x4  }
0xfc: {  	[tilespmem:$0x11280] =	vst v1  }
0xfd: {  	v1 =	vld [tilespmem:s26+$0xC340];
	_ =	sdelay $0x4  }
0xfe: {  	[tilespmem:$0x111F0] =	vst v1  }
0xff: {  	v1 =	vld [tilespmem:s26+$0xEA50];
	_ =	sdelay $0x4  }
0x100: {  	[tilespmem:$0x11290] =	vst v1  }
0x101: {  	v1 =	vld [tilespmem:s26+$0xC350];
	_ =	sdelay $0x4  }
0x102: {  	[tilespmem:$0x11200] =	vst v1  }
0x103: {  	v1 =	vld [tilespmem:s26+$0xEA60];
	_ =	sdelay $0x4  }
0x104: {  	[tilespmem:$0x112A0] =	vst v1  }
0x105: {  	[tilespmem:s9], [sflag:$0x2] =	stream.indirect.gather [hbm4b:s7+s2], $0x40, s8, s2, $0xb8;
	[tilespmem:$0x1DB50] =	vst v63  }
0x106: {  	_ =	swait.ge [sflag:s11], $0x50  }
.Ltmp2:
0x107: {  	[sflag:s11] =	ssyncset.done $0x0;
	(pc) =	sbr.rel @p0 .LBB2_6-.Ltmp2, $4  }
0x108: {  	[sflag:s11] =	ssyncadd.s32 $0xFFFFFFB0  }
0x109: {  	_ =	swait.ge [sflag:s12], $0x1400  }
0x10a: {  	[sflag:s12] =	ssyncset.done $0x0  }
0x10b: {  	s22 =	sadd.s32 $0xA0, s22;
	s25 =	sadd.s32 $0x14, s25;
	[sflag:s12] =	ssyncadd.s32 $0xFFFFEC00  }
0x10c: {  	[spmem:s3] =	stream.indirect.scatter.add.f32 [tilespmem:s31], [sflag:$0x5], $0x40, s13, s2, $0xb8;
	[tilespmem:$0x1DB50] =	vst v63  }
0x10d: {  	_ =	swait.ge [sflag:s14], $0x1400  }
0x10e: {  	[sflag:s14] =	ssyncset.done $0x0  }
0x10f: {  	s21 =	rddreg [dreg:$0x8];
	[sflag:s14] =	ssyncadd.s32 $0xFFFFEC00  }
0x110: {  	[tilespmem:s1], [sflag:$0x3] =	stream.linear.gather [hbm4b:s21+s4], $0x50, $0x38;
	[tilespmem:$0x1DB50] =	vst v63  }
0x111: {  	v1 =	vld [tilespmem:$0xEA10]  }
0x112: {  	v2 =	vld [tilespmem:$0x11120]  }
0x113: {  	v3 =	vld [tilespmem:$0xEA20]  }
0x114: {  	v4 =	vld [tilespmem:$0x11130]  }
0x115: {  	v5 =	vld [tilespmem:$0xEA30]  }
0x116: {  	v62 =	vld [tilespmem:$0xEA50];
	[tilespmem:$0x11170] =	vst v1  }
0x117: {  	v63 =	vld [tilespmem:$0x11160];
	[tilespmem:$0x11210] =	vst v2  }
0x118: {  	v1 =	vld [tilespmem:$0x11140];
	[tilespmem:$0x11180] =	vst v3  }
0x119: {  	v2 =	vld [tilespmem:$0xEA40];
	[tilespmem:$0x11220] =	vst v4  }
0x11a: {  	v3 =	vld [tilespmem:$0x11150];
	[tilespmem:$0x11190] =	vst v5  }
0x11b: {  	[tilespmem:$0x111B0] =	vst v62  }
0x11c: {  	[tilespmem:$0x11250] =	vst v63  }
0x11d: {  	[tilespmem:$0x11230] =	vst v1  }
0x11e: {  	[tilespmem:$0x111A0] =	vst v2  }
0x11f: {  	[tilespmem:$0x11240] =	vst v3  }
0x120: {  	[tilespmem:s31], [sflag:$0x1] =	stream.indirect.gather [hbm4b:s7+s2], $0x40, s0, s2, $0xb8;
	[tilespmem:$0x1DB50] =	vst v63  }
0x121: {  	_ =	swait.ge [sflag:s15], $0x50  }
0x122: {  	[sflag:s15] =	ssyncset.done $0x0  }
0x123: {  	[sflag:s15] =	ssyncadd.s32 $0xFFFFFFB0  }
0x124: {  	_ =	swait.ge [sflag:s16], $0x1400  }
0x125: {  	[sflag:s16] =	ssyncset.done $0x0  }
0x126: {  	[sflag:s16] =	ssyncadd.s32 $0xFFFFEC00  }
0x127: {  	[spmem:s3] =	stream.indirect.scatter.add.f32 [tilespmem:s9], [sflag:$0x6], $0x40, s18, s2, $0xb8;
	[tilespmem:$0x1DB50] =	vst v63  }
0x128: {  	_ =	swait.ge [sflag:s11], $0x50  }
0x129: {  	[sflag:s11] =	ssyncset.done $0x0  }
0x12a: {  	[sflag:s11] =	ssyncadd.s32 $0xFFFFFFB0  }
0x12b: {  	_ =	swait.ge [sflag:s12], $0x1400  }
0x12c: {  	[sflag:s12] =	ssyncset.done $0x0  }
0x12d: {  	[sflag:s12] =	ssyncadd.s32 $0xFFFFEC00  }
0x12e: {  	[spmem:s3] =	stream.indirect.scatter.add.f32 [tilespmem:s31], [sflag:$0x7], $0x40, s13, s2, $0xb8;
	[tilespmem:$0x1DB50] =	vst v63  }
0x12f: {  	_ =	swait.ge [sflag:s30], $0x1400  }
0x130: {  	[sflag:s30] =	ssyncset.done $0x0  }
0x131: {  	[sflag:s30] =	ssyncadd.s32 $0xFFFFEC00  }
0x132: {  	_ =	swait.ge [sflag:s19], $0x1400  }
0x133: {  	[sflag:s19] =	ssyncset.done $0x0  }
0x134: {  	[sflag:s19] =	ssyncadd.s32 $0xFFFFEC00  }
0x135: {  	[bflag:$0x0] =	sbarrier.arrive $0xFFFF  }
0x136: {  	s22 =	simm.s32 $0x4E20;
	s28 =	rddreg [dreg:$0x9]  }
0x137: {  	[hbm4b:s28+s4] =	stream.linear.scatter [tilespmem:s22], [sflag:$0x7], $0x2710, $0x38;
	[tilespmem:$0x1DB50] =	vst v63  }
0x138: {  	_ =	swait.ge [sflag:s30], $0x2710  }
0x139: {  	[sflag:s30] =	ssyncset.done $0x0  }
0x13a: {  	s25 =	simm.s32 $0x7530;
	s22 =	rddreg [dreg:$0xa];
	[sflag:s30] =	ssyncadd.s32 $0xFFFFD8F0  }
0x13b: {  	[hbm4b:s22+s4] =	stream.linear.scatter [tilespmem:s25], [sflag:$0x7], $0x2710, $0x38;
	[tilespmem:$0x1DB50] =	vst v63  }
0x13c: {  	_ =	swait.ge [sflag:s30], $0x2710  }
0x13d: {  	[sflag:s30] =	ssyncset.done $0x0  }
0x13e: {  	s28 =	simm.s32 $0x9C40;
	s26 =	rddreg [dreg:$0xb];
	[sflag:s30] =	ssyncadd.s32 $0xFFFFD8F0  }
0x13f: {  	[hbm4b:s26+s4] =	stream.linear.scatter [tilespmem:s28], [sflag:$0x7], $0x2710, $0x38;
	[tilespmem:$0x1DB50] =	vst v63  }
0x140: {  	s25 =	stileid.u32;
	_ =	swait.ge [sflag:s30], $0x2710  }
0x141: {  	s21 =	sshll.u32 s25, $0x6;
	[sflag:s30] =	ssyncset.done $0x0;
	s26 =	rddreg [dreg:$0xc]  }
0x142: {  	s21 =	sor.u32 $0x1C07, s21;
	s25 =	rddreg [dreg:$0x12];
	[sflag:s30] =	ssyncadd.s32 $0xFFFFD8F0  }
0x143: {  	[hbm:s26], [sflag:s21] =	dma.local [spmem:s25], $0x1400  }
0x144: {  	_ =	swait.ge [sflag:s30], $0x1400  }
0x145: {  	s20 =	sadd.s32 $0x1, s20;
	s28 =	rddreg [dreg:$0xd]  }
0x146: {  	p0 =	sne.s32 s20, s28  }
.Ltmp3:
0x147: {  	_ = 	snop;
	(pc) =	sbr.rel @p0 .LBB2_1-.Ltmp3, $3  }
0x148: {  	_ =	sdelay $0x1  }
0x149: {  	[sflag:s30] =	ssyncset.done $0x0  }
0x14a: {  	[sflag:s30] =	ssyncadd.s32 $0xFFFFEC00  }
0x14b: {  	_ =	sfence.sel $0x180000  }
0x14c: {  	[bflag:$0x0] =	sbarrier.arrive $0xFFFF  }
0x14d: {  	_ =	strace $0x90000047  }
0x14e: {  	s0 =	stileid.u32;
	[bflag:$0x2] =	sbarrier.arrive $0xFFFF  }
0x14f: {  	p0 =	sne.s32 s0, $0x0;
	s0 =	rddreg [dreg:$0x3]  }
0x150: {  	s0 =	sadd.s32 @!p0 $0x100000, s0  }
0x151: {  	[sflag:s0] =	ssyncadd.tile.s32 @!p0 $0x1;
	_ =	shalt  }
.Lfunc_end2:
_tile_overlayer_lowered:
.L_overlay_start_2:
0x152: {  	(tag) =	ssettag $0x2  }
0x153: {  	s0 =	rddreg [dreg:$0x0];
	s2 =	stileid.u32  }
0x154: {  	s1 =	rddreg [dreg:$0x1];
	p0 =	sne.s32 s2, $0x0  }
0x155: {  	s3 =	rddreg [dreg:$0x2];
	[bflag:$0x3] =	sbarrier.arrive $0xFFFF;
	s2 =	simm.s32 @!p0 $0x1C07  }
0x156: {  	[timem:s3], [sflag:s2] =	dma.local @!p0 [hbm:s0], s1  }
0x157: {  	s0 =	simm.s32 @!p0 $0x7  }
0x158: {  	_ =	swait.ge @!p0 [sflag:s0], s1  }
0x159: {  	s1 =	ssub.s32 @!p0 $0x0, s1;
	[sflag:s0] =	ssyncset.done @!p0 $0x0  }
0x15a: {  	[sflag:s0] =	ssyncadd.s32 @!p0 s1  }
0x15b: {  	[bflag:$0x3] =	sbarrier.arrive $0xFFFF  }
0x15c: {  	_ =	shalt  }

</sc_bundles>
